<compile_context>
chip_gen: v7x
topology: tpu7x:2x2x1
jax: 0.10.2.dev20260603
libtpu: 0.0.44.dev20260713+nightly
codegen_flags: <defaults>
</compile_context>

<pallas_src>
import jax
import jax.numpy as jnp
from jax import lax
from jax.experimental import pallas as pl
from jax.experimental.pallas import tpu as pltpu
from jax.experimental.pallas import tpu_sc as plsc

S = 2048
H = 1024
DFF = 2048
E = 8
EPAD = 128
TOPK = 2
AUX_COEF = 0.01
Z_COEF = 0.001

BLK = 256
JMAX = S // BLK
NROWS = E * S
RB = 256

NC = 2
NS = 16
NT = NC * NS
TPT = S // NT



def _routing_body(x_ref, wr_ref, d1_ref, d2_ref, g1_ref, g2_ref,
                  counts_ref, aux_ref, c_ref):
    x = x_ref[...]
    wr = wr_ref[...]
    logits = lax.dot_general(x, wr, (((1,), (1,)), ((), ())),
                             preferred_element_type=jnp.float32)
    lane = lax.broadcasted_iota(jnp.int32, (S, EPAD), 1)
    valid = lane < E
    neg = jnp.float32(-1e30)
    logits = jnp.where(valid, logits, neg)

    lmax = jnp.max(logits, axis=1, keepdims=True)
    ex = jnp.exp(logits - lmax)
    ssum = jnp.sum(ex, axis=1, keepdims=True)
    probs = ex / ssum

    m1 = jnp.max(probs, axis=1, keepdims=True)
    a1 = jnp.min(jnp.where(probs == m1, lane, EPAD), axis=1, keepdims=True)
    probs2 = jnp.where(lane == a1, -1.0, probs)
    m2 = jnp.max(probs2, axis=1, keepdims=True)
    a2 = jnp.min(jnp.where(probs2 == m2, lane, EPAD), axis=1, keepdims=True)
    den = m1 + m2
    g1_ref[...] = m1 / den
    g2_ref[...] = m2 / den

    oh = ((lane == a1) | (lane == a2)).astype(jnp.float32)
    tril = (lax.broadcasted_iota(jnp.int32, (RB, RB), 1)
            <= lax.broadcasted_iota(jnp.int32, (RB, RB), 0)).astype(jnp.float32)
    carry = jnp.zeros((1, EPAD), jnp.float32)
    for i in range(S // RB):
        ohb = oh[i * RB:(i + 1) * RB, :]
        c_ref[i * RB:(i + 1) * RB, :] = carry + lax.dot_general(
            tril, ohb, (((1,), (0,)), ((), ())),
            preferred_element_type=jnp.float32)
        carry = carry + jnp.sum(ohb, axis=0, keepdims=True)
    counts = carry
    counts_ref[...] = counts

    c_all = c_ref[...]
    sel1 = jnp.sum(jnp.where(lane == a1, c_all, 0.0), axis=1, keepdims=True)
    sel2 = jnp.sum(jnp.where(lane == a2, c_all, 0.0), axis=1, keepdims=True)
    d1_ref[...] = a1 * S + (sel1 - 1.0).astype(jnp.int32)
    d2_ref[...] = a2 * S + (sel2 - 1.0).astype(jnp.int32)

    fraction = counts / jnp.float32(S * TOPK)
    mean_prob = jnp.sum(probs, axis=0, keepdims=True) / jnp.float32(S)
    lb = jnp.float32(E) * jnp.sum(fraction * mean_prob)
    lse = jnp.log(ssum) + lmax
    z = jnp.sum(lse * lse) / jnp.float32(S)
    aux_ref[...] = jnp.reshape(AUX_COEF * lb + Z_COEF * z, (1, 1))


def _routing(x2d, wr_pad):
    return pl.pallas_call(
        _routing_body,
        out_shape=(
            jax.ShapeDtypeStruct((S, 1), jnp.int32),
            jax.ShapeDtypeStruct((S, 1), jnp.int32),
            jax.ShapeDtypeStruct((S, 1), jnp.float32),
            jax.ShapeDtypeStruct((S, 1), jnp.float32),
            jax.ShapeDtypeStruct((1, EPAD), jnp.float32),
            jax.ShapeDtypeStruct((1, 1), jnp.float32),
        ),
        in_specs=[
            pl.BlockSpec((S, H), lambda: (0, 0)),
            pl.BlockSpec((EPAD, H), lambda: (0, 0)),
        ],
        out_specs=(
            pl.BlockSpec((S, 1), lambda: (0, 0)),
            pl.BlockSpec((S, 1), lambda: (0, 0)),
            pl.BlockSpec((S, 1), lambda: (0, 0)),
            pl.BlockSpec((S, 1), lambda: (0, 0)),
            pl.BlockSpec((1, EPAD), lambda: (0, 0)),
            pl.BlockSpec((1, 1), lambda: (0, 0)),
        ),
        scratch_shapes=[pltpu.VMEM((S, EPAD), jnp.float32)],
    )(x2d, wr_pad)



def _dispatch_kernel(d1_hbm, d2_hbm, x_hbm, xg_hbm, idxr, xbuf, sem):
    wid = lax.axis_index("s") * NC + lax.axis_index("c")
    t0 = wid * TPT

    pltpu.sync_copy(x_hbm.at[pl.ds(t0, TPT)], xbuf)
    pltpu.sync_copy(d1_hbm.at[pl.ds(t0, TPT)], idxr)
    pltpu.async_copy(xbuf, xg_hbm.at[idxr], sem).wait()
    pltpu.sync_copy(d2_hbm.at[pl.ds(t0, TPT)], idxr)
    pltpu.async_copy(xbuf, xg_hbm.at[idxr], sem).wait()


def _dispatch(d1, d2, x2d):
    mesh = plsc.VectorSubcoreMesh(core_axis_name="c", subcore_axis_name="s")
    return pl.kernel(
        _dispatch_kernel,
        mesh=mesh,
        compiler_params=pltpu.CompilerParams(needs_layout_passes=False),
        out_type=jax.ShapeDtypeStruct((NROWS, H), jnp.float32),
        scratch_types=[
            pltpu.VMEM((TPT,), jnp.int32),
            pltpu.VMEM((TPT, H), jnp.float32),
            pltpu.SemaphoreType.DMA,
        ],
    )(d1, d2, x2d)



KD = 2
DH = DFF // KD


def _ffn_body(val_ref, xg_ref, w1_ref, b1_ref, w2_ref, b2_ref, out_ref):
    e = pl.program_id(0)
    j = pl.program_id(1)
    k = pl.program_id(2)

    @pl.when(val_ref[e * JMAX + j] == 1)
    def _():
        xb = xg_ref[...]
        h = lax.dot_general(xb, w1_ref[0], (((1,), (1,)), ((), ())),
                            preferred_element_type=jnp.float32)
        h = h + b1_ref[0]
        h = 0.5 * h * (1.0 + lax.erf(h * jnp.float32(0.7071067811865476)))
        y = lax.dot_general(h, w2_ref[0], (((1,), (1,)), ((), ())),
                            preferred_element_type=jnp.float32)

        @pl.when(k == 0)
        def _():
            out_ref[...] = y + b2_ref[0]

        @pl.when(k == 1)
        def _():
            out_ref[...] += y


def _ffn(valid, xg, W1, b1, W2, b2):
    grid_spec = pltpu.PrefetchScalarGridSpec(
        num_scalar_prefetch=1,
        grid=(E, JMAX, KD),
        in_specs=[
            pl.BlockSpec((BLK, H), lambda e, j, k, vref: (e * JMAX + j, 0)),
            pl.BlockSpec((1, DH, H), lambda e, j, k, vref: (e, k, 0)),
            pl.BlockSpec((1, 1, DH), lambda e, j, k, vref: (e, 0, k)),
            pl.BlockSpec((1, H, DH), lambda e, j, k, vref: (e, 0, k)),
            pl.BlockSpec((1, 1, H), lambda e, j, k, vref: (e, 0, 0)),
        ],
        out_specs=pl.BlockSpec((BLK, H),
                               lambda e, j, k, vref: (e * JMAX + j, 0)),
    )
    return pl.pallas_call(
        _ffn_body,
        grid_spec=grid_spec,
        out_shape=jax.ShapeDtypeStruct((NROWS, H), jnp.float32),
    )(valid, xg, W1, b1.reshape(E, 1, DFF), W2, b2.reshape(E, 1, H))



def _combine_kernel(d1_hbm, d2_hbm, ybuf_hbm, yab_hbm, idxr, rows, sem):
    wid = lax.axis_index("s") * NC + lax.axis_index("c")
    t0 = wid * TPT

    pltpu.sync_copy(d1_hbm.at[pl.ds(t0, TPT)], idxr)
    pltpu.async_copy(ybuf_hbm.at[idxr], rows, sem).wait()
    pltpu.sync_copy(rows, yab_hbm.at[pl.ds(t0, TPT)])

    pltpu.sync_copy(d2_hbm.at[pl.ds(t0, TPT)], idxr)
    pltpu.async_copy(ybuf_hbm.at[idxr], rows, sem).wait()
    pltpu.sync_copy(rows, yab_hbm.at[pl.ds(S + t0, TPT)])


def _combine(d1, d2, ybuf):
    mesh = plsc.VectorSubcoreMesh(core_axis_name="c", subcore_axis_name="s")
    return pl.kernel(
        _combine_kernel,
        mesh=mesh,
        compiler_params=pltpu.CompilerParams(needs_layout_passes=False),
        out_type=jax.ShapeDtypeStruct((2 * S, H), jnp.float32),
        scratch_types=[
            pltpu.VMEM((TPT,), jnp.int32),
            pltpu.VMEM((TPT, H), jnp.float32),
            pltpu.SemaphoreType.DMA,
        ],
    )(d1, d2, ybuf)



def _add_body(a_ref, b_ref, ga_ref, gb_ref, out_ref):
    out_ref[...] = a_ref[...] * ga_ref[...] + b_ref[...] * gb_ref[...]


def _add(yab, gcat):
    nsb = 4
    sb = S // nsb
    return pl.pallas_call(
        _add_body,
        grid=(nsb,),
        out_shape=jax.ShapeDtypeStruct((S, H), jnp.float32),
        in_specs=[
            pl.BlockSpec((sb, H), lambda i: (i, 0)),
            pl.BlockSpec((sb, H), lambda i: (i + nsb, 0)),
            pl.BlockSpec((sb, 1), lambda i: (i, 0)),
            pl.BlockSpec((sb, 1), lambda i: (i + nsb, 0)),
        ],
        out_specs=pl.BlockSpec((sb, H), lambda i: (i, 0)),
    )(yab, yab, gcat, gcat)



@jax.jit
def _moe(x, Wr, W1, b1, W2, b2):
    x2d = x.reshape(S, H)
    wr_pad = jnp.zeros((EPAD, H), jnp.float32).at[:E].set(Wr)

    d1c, d2c, g1c, g2c, counts_row, aux = _routing(x2d, wr_pad)
    d1 = d1c.reshape(S)
    d2 = d2c.reshape(S)
    gcat = jnp.concatenate([g1c, g2c], axis=0)

    counts = counts_row[0, :E].astype(jnp.int32)
    nb = (counts + (BLK - 1)) // BLK
    jarange = jnp.arange(JMAX, dtype=jnp.int32)
    valid = (jarange[None, :] < nb[:, None]).astype(jnp.int32).reshape(E * JMAX)

    xg = _dispatch(d1, d2, x2d)
    ybuf = _ffn(valid, xg, W1, b1, W2, b2)
    yab = _combine(d1, d2, ybuf)
    out = _add(yab, gcat)
    return out.reshape(1, S, H), aux[0, 0]


def kernel(x, Wr, W1, b1, W2, b2):
    return _moe(x, Wr, W1, b1, W2, b2)

# --- scband reference (transcript-rebuilt; emitter-appended) ---
"""Pipeline reference for scband-aydin-mo-eultra-81827716923804 (READ-ONLY COPY).

The authoritative reference and input builder live on the scoring server;
editing this copy changes nothing except your own understanding.
"""

import jax, jax.numpy as jnp
import numpy as np

B, S, H = 1, 2048, 1024
DFF = 2048
E = 8
TOPK = 2
AUX_COEF = 0.01
Z_COEF = 0.001


def setup_inputs(seed: int = 0) -> dict:
    key = jax.random.key(seed)
    ks = jax.random.split(key, 5)
    x = jax.random.normal(ks[0], (B, S, H), dtype=jnp.float32)
    Wr = jax.random.normal(ks[1], (E, H), dtype=jnp.float32) * (1.0 / np.sqrt(H))
    W1 = jax.random.normal(ks[2], (E, DFF, H), dtype=jnp.float32) * (1.0 / np.sqrt(H))
    b1 = jnp.zeros((E, DFF), dtype=jnp.float32)
    W2 = jax.random.normal(ks[3], (E, H, DFF), dtype=jnp.float32) * (1.0 / np.sqrt(DFF))
    b2 = jnp.zeros((E, H), dtype=jnp.float32)
    return {"x": x, "Wr": Wr, "W1": W1, "b1": b1, "W2": W2, "b2": b2}


def reference(x, Wr, W1, b1, W2, b2):
    Bb, Ss, Hh = x.shape
    x_flat = x.reshape(-1, Hh)
    # router (Linear, no bias)
    router_logits = x_flat @ Wr.T
    routing_probs = jax.nn.softmax(router_logits, axis=-1)
    routing_weights, selected_experts = jax.lax.top_k(routing_probs, TOPK)
    routing_weights = routing_weights / jnp.sum(routing_weights, axis=-1, keepdims=True)
    # dispatch: dense-equivalent formulation of the torch gather/index_add loop
    # (gate is zero for non-selected experts, so outputs are mathematically identical)
    final_output = jnp.zeros_like(x_flat)
    for i in range(E):
        gate = jnp.sum(jnp.where(selected_experts == i, routing_weights, 0.0), axis=-1)
        h = x_flat @ W1[i].T + b1[i]
        h = jax.nn.gelu(h, approximate=False)
        out = h @ W2[i].T + b2[i]
        final_output = final_output + out * gate[:, None]
    # aux losses (training branch)
    expert_mask = jax.nn.one_hot(selected_experts, E, dtype=x.dtype)
    tokens_per_expert = jnp.sum(expert_mask, axis=(0, 1))
    fraction_routed = tokens_per_expert / (Bb * Ss * TOPK)
    mean_prob = jnp.mean(routing_probs, axis=0)
    lb_loss = E * jnp.sum(fraction_routed * mean_prob)
    z_loss = jnp.mean(jax.scipy.special.logsumexp(router_logits, axis=-1) ** 2)
    aux_loss = AUX_COEF * lb_loss + Z_COEF * z_loss
    return final_output.reshape(Bb, Ss, Hh), aux_loss

if __name__ == "__main__":
    import jax
    _d = setup_inputs()
    print(jax.jit(kernel)(*tuple(_d.values())))

</pallas_src>

<mosaic_0001>
#map = affine_map<(d0, d1) -> (0)>
#map1 = affine_map<(d0, d1) -> (0, 0)>
module attributes {stable_mosaic.version = 14 : i64} {
  func.func @_combine_kernel(%arg0: i32, %arg1: i32, %arg2: memref<2048xi32, #tpu.memory_space<hbm>>, %arg3: memref<2048xi32, #tpu.memory_space<hbm>>, %arg4: memref<16384x1024xf32, #tpu.memory_space<hbm>>, %arg5: memref<4096x1024xf32, #tpu.memory_space<hbm>>, %arg6: memref<64xi32, #tpu.memory_space<vmem>>, %arg7: memref<64x1024xf32, #tpu.memory_space<vmem>>, %arg8: memref<!tpu.dma_semaphore, #tpu.memory_space<semaphore_mem>>) attributes {dimension_semantics = [#tpu.dimension_semantics<core_parallel>, #tpu.dimension_semantics<subcore_parallel>], iteration_bounds = array<i64: 2, 16>, scalar_prefetch = 0 : i64, scratch_operands = 3 : i64, tpu.core_type = #tpu.core_type<sc_vector_subcore>, window_params = [{transform_indices = #map}, {transform_indices = #map}, {transform_indices = #map1}, {transform_indices = #map1}]} {
    %mul3A = arith.constant 2 : i32
    %mul3A_0 = arith.muli %arg1, %mul3A : i32
    %add3A = arith.addi %mul3A_0, %arg0 : i32
    %mul3A_1 = arith.constant 64 : i32
    %mul3A_2 = arith.muli %add3A, %mul3A_1 : i32
    "tpu.region"() ({
      %run_scoped3A = tpu.sem_alloc : memref<!tpu.dma_semaphore, #tpu.memory_space<semaphore_mem>>
      %dma_start3A_15 = tpu.memref_slice %arg2[%mul3A_2] : memref<2048xi32, #tpu.memory_space<hbm>> -> memref<64xi32, #tpu.memory_space<hbm>>
      %dma_start3A_16 = tpu.memref_slice %arg2[%mul3A_2] : memref<2048xi32, #tpu.memory_space<hbm>> -> memref<64xi32, #tpu.memory_space<hbm>>
      tpu.enqueue_dma source(%dma_start3A_16 : memref<64xi32, #tpu.memory_space<hbm>>) target(%arg6 : memref<64xi32, #tpu.memory_space<vmem>>) target_semaphore(%run_scoped3A : memref<!tpu.dma_semaphore, #tpu.memory_space<semaphore_mem>>)
      %dma_wait3A_17 = tpu.memref_slice %arg2[%mul3A_2] : memref<2048xi32, #tpu.memory_space<hbm>> -> memref<64xi32, #tpu.memory_space<hbm>>
      %dma_wait3A_18 = tpu.memref_slice %arg2[%mul3A_2] : memref<2048xi32, #tpu.memory_space<hbm>> -> memref<64xi32, #tpu.memory_space<hbm>>
      tpu.wait_dma2 semaphore(%run_scoped3A : memref<!tpu.dma_semaphore, #tpu.memory_space<semaphore_mem>>) src(%dma_wait3A_18 : memref<64xi32, #tpu.memory_space<hbm>>) dst(%arg6 : memref<64xi32, #tpu.memory_space<vmem>>)
      tpu.yield
    }) : () -> ()
    %dma_start3A = arith.constant 0 : i32
    %dma_start3A_3 = arith.constant 0 : i32
    %dma_start3A_4 = tpu.memref_slice %arg4[%dma_start3A, %dma_start3A_3] : memref<16384x1024xf32, #tpu.memory_space<hbm>> -> memref<16384x1024xf32, #tpu.memory_space<hbm>>
    tpu.enqueue_indirect_dma source(%dma_start3A_4 : memref<16384x1024xf32, #tpu.memory_space<hbm>>) target(%arg7 : memref<64x1024xf32, #tpu.memory_space<vmem>>) offsets(%arg6 : memref<64xi32, #tpu.memory_space<vmem>>) semaphore(%arg8 : memref<!tpu.dma_semaphore, #tpu.memory_space<semaphore_mem>>)
    %dma_wait3A = arith.constant 0 : i32
    %dma_wait3A_5 = arith.constant 0 : i32
    %dma_wait3A_6 = tpu.memref_slice %arg4[%dma_wait3A, %dma_wait3A_5] : memref<16384x1024xf32, #tpu.memory_space<hbm>> -> memref<16384x1024xf32, #tpu.memory_space<hbm>>
    tpu.wait_indirect_dma semaphore(%arg8 : memref<!tpu.dma_semaphore, #tpu.memory_space<semaphore_mem>>) src(%dma_wait3A_6 : memref<16384x1024xf32, #tpu.memory_space<hbm>>) dst(%arg7 : memref<64x1024xf32, #tpu.memory_space<vmem>>)
    "tpu.region"() ({
      %run_scoped3A = tpu.sem_alloc : memref<!tpu.dma_semaphore, #tpu.memory_space<semaphore_mem>>
      %dma_start3A_15 = arith.constant 0 : i32
      %dma_start3A_16 = tpu.memref_slice %arg5[%mul3A_2, %dma_start3A_15] : memref<4096x1024xf32, #tpu.memory_space<hbm>> -> memref<64x1024xf32, #tpu.memory_space<hbm>>
      %dma_start3A_17 = arith.constant 0 : i32
      %dma_start3A_18 = tpu.memref_slice %arg5[%mul3A_2, %dma_start3A_17] : memref<4096x1024xf32, #tpu.memory_space<hbm>> -> memref<64x1024xf32, #tpu.memory_space<hbm>>
      tpu.enqueue_dma source(%arg7 : memref<64x1024xf32, #tpu.memory_space<vmem>>) target(%dma_start3A_18 : memref<64x1024xf32, #tpu.memory_space<hbm>>) target_semaphore(%run_scoped3A : memref<!tpu.dma_semaphore, #tpu.memory_space<semaphore_mem>>)
      %dma_wait3A_19 = arith.constant 0 : i32
      %dma_wait3A_20 = tpu.memref_slice %arg5[%mul3A_2, %dma_wait3A_19] : memref<4096x1024xf32, #tpu.memory_space<hbm>> -> memref<64x1024xf32, #tpu.memory_space<hbm>>
      %dma_wait3A_21 = arith.constant 0 : i32
      %dma_wait3A_22 = tpu.memref_slice %arg5[%mul3A_2, %dma_wait3A_21] : memref<4096x1024xf32, #tpu.memory_space<hbm>> -> memref<64x1024xf32, #tpu.memory_space<hbm>>
      tpu.wait_dma2 semaphore(%run_scoped3A : memref<!tpu.dma_semaphore, #tpu.memory_space<semaphore_mem>>) src(%arg7 : memref<64x1024xf32, #tpu.memory_space<vmem>>) dst(%dma_wait3A_22 : memref<64x1024xf32, #tpu.memory_space<hbm>>)
      tpu.yield
    }) : () -> ()
    "tpu.region"() ({
      %run_scoped3A = tpu.sem_alloc : memref<!tpu.dma_semaphore, #tpu.memory_space<semaphore_mem>>
      %dma_start3A_15 = tpu.memref_slice %arg3[%mul3A_2] : memref<2048xi32, #tpu.memory_space<hbm>> -> memref<64xi32, #tpu.memory_space<hbm>>
      %dma_start3A_16 = tpu.memref_slice %arg3[%mul3A_2] : memref<2048xi32, #tpu.memory_space<hbm>> -> memref<64xi32, #tpu.memory_space<hbm>>
      tpu.enqueue_dma source(%dma_start3A_16 : memref<64xi32, #tpu.memory_space<hbm>>) target(%arg6 : memref<64xi32, #tpu.memory_space<vmem>>) target_semaphore(%run_scoped3A : memref<!tpu.dma_semaphore, #tpu.memory_space<semaphore_mem>>)
      %dma_wait3A_17 = tpu.memref_slice %arg3[%mul3A_2] : memref<2048xi32, #tpu.memory_space<hbm>> -> memref<64xi32, #tpu.memory_space<hbm>>
      %dma_wait3A_18 = tpu.memref_slice %arg3[%mul3A_2] : memref<2048xi32, #tpu.memory_space<hbm>> -> memref<64xi32, #tpu.memory_space<hbm>>
      tpu.wait_dma2 semaphore(%run_scoped3A : memref<!tpu.dma_semaphore, #tpu.memory_space<semaphore_mem>>) src(%dma_wait3A_18 : memref<64xi32, #tpu.memory_space<hbm>>) dst(%arg6 : memref<64xi32, #tpu.memory_space<vmem>>)
      tpu.yield
    }) : () -> ()
    %dma_start3A_7 = arith.constant 0 : i32
    %dma_start3A_8 = arith.constant 0 : i32
    %dma_start3A_9 = tpu.memref_slice %arg4[%dma_start3A_7, %dma_start3A_8] : memref<16384x1024xf32, #tpu.memory_space<hbm>> -> memref<16384x1024xf32, #tpu.memory_space<hbm>>
    tpu.enqueue_indirect_dma source(%dma_start3A_9 : memref<16384x1024xf32, #tpu.memory_space<hbm>>) target(%arg7 : memref<64x1024xf32, #tpu.memory_space<vmem>>) offsets(%arg6 : memref<64xi32, #tpu.memory_space<vmem>>) semaphore(%arg8 : memref<!tpu.dma_semaphore, #tpu.memory_space<semaphore_mem>>)
    %dma_wait3A_10 = arith.constant 0 : i32
    %dma_wait3A_11 = arith.constant 0 : i32
    %dma_wait3A_12 = tpu.memref_slice %arg4[%dma_wait3A_10, %dma_wait3A_11] : memref<16384x1024xf32, #tpu.memory_space<hbm>> -> memref<16384x1024xf32, #tpu.memory_space<hbm>>
    tpu.wait_indirect_dma semaphore(%arg8 : memref<!tpu.dma_semaphore, #tpu.memory_space<semaphore_mem>>) src(%dma_wait3A_12 : memref<16384x1024xf32, #tpu.memory_space<hbm>>) dst(%arg7 : memref<64x1024xf32, #tpu.memory_space<vmem>>)
    %add3A_13 = arith.constant 2048 : i32
    %add3A_14 = arith.addi %add3A_13, %mul3A_2 : i32
    "tpu.region"() ({
      %run_scoped3A = tpu.sem_alloc : memref<!tpu.dma_semaphore, #tpu.memory_space<semaphore_mem>>
      %dma_start3A_15 = arith.constant 0 : i32
      %dma_start3A_16 = tpu.memref_slice %arg5[%add3A_14, %dma_start3A_15] : memref<4096x1024xf32, #tpu.memory_space<hbm>> -> memref<64x1024xf32, #tpu.memory_space<hbm>>
      %dma_start3A_17 = arith.constant 0 : i32
      %dma_start3A_18 = tpu.memref_slice %arg5[%add3A_14, %dma_start3A_17] : memref<4096x1024xf32, #tpu.memory_space<hbm>> -> memref<64x1024xf32, #tpu.memory_space<hbm>>
      tpu.enqueue_dma source(%arg7 : memref<64x1024xf32, #tpu.memory_space<vmem>>) target(%dma_start3A_18 : memref<64x1024xf32, #tpu.memory_space<hbm>>) target_semaphore(%run_scoped3A : memref<!tpu.dma_semaphore, #tpu.memory_space<semaphore_mem>>)
      %dma_wait3A_19 = arith.constant 0 : i32
      %dma_wait3A_20 = tpu.memref_slice %arg5[%add3A_14, %dma_wait3A_19] : memref<4096x1024xf32, #tpu.memory_space<hbm>> -> memref<64x1024xf32, #tpu.memory_space<hbm>>
      %dma_wait3A_21 = arith.constant 0 : i32
      %dma_wait3A_22 = tpu.memref_slice %arg5[%add3A_14, %dma_wait3A_21] : memref<4096x1024xf32, #tpu.memory_space<hbm>> -> memref<64x1024xf32, #tpu.memory_space<hbm>>
      tpu.wait_dma2 semaphore(%run_scoped3A : memref<!tpu.dma_semaphore, #tpu.memory_space<semaphore_mem>>) src(%arg7 : memref<64x1024xf32, #tpu.memory_space<vmem>>) dst(%dma_wait3A_22 : memref<64x1024xf32, #tpu.memory_space<hbm>>)
      tpu.yield
    }) : () -> ()
    return
  }
}

#map = affine_map<(d0, d1) -> (0)>
#map1 = affine_map<(d0, d1) -> (0, 0)>
module attributes {stable_mosaic.version = 14 : i64} {
  func.func @_dispatch_kernel(%arg0: i32, %arg1: i32, %arg2: memref<2048xi32, #tpu.memory_space<hbm>>, %arg3: memref<2048xi32, #tpu.memory_space<hbm>>, %arg4: memref<2048x1024xf32, #tpu.memory_space<hbm>>, %arg5: memref<16384x1024xf32, #tpu.memory_space<hbm>>, %arg6: memref<64xi32, #tpu.memory_space<vmem>>, %arg7: memref<64x1024xf32, #tpu.memory_space<vmem>>, %arg8: memref<!tpu.dma_semaphore, #tpu.memory_space<semaphore_mem>>) attributes {dimension_semantics = [#tpu.dimension_semantics<core_parallel>, #tpu.dimension_semantics<subcore_parallel>], iteration_bounds = array<i64: 2, 16>, scalar_prefetch = 0 : i64, scratch_operands = 3 : i64, tpu.core_type = #tpu.core_type<sc_vector_subcore>, window_params = [{transform_indices = #map}, {transform_indices = #map}, {transform_indices = #map1}, {transform_indices = #map1}]} {
    %mul3A = arith.constant 2 : i32
    %mul3A_0 = arith.muli %arg1, %mul3A : i32
    %add3A = arith.addi %mul3A_0, %arg0 : i32
    %mul3A_1 = arith.constant 64 : i32
    %mul3A_2 = arith.muli %add3A, %mul3A_1 : i32
    "tpu.region"() ({
      %run_scoped3A = tpu.sem_alloc : memref<!tpu.dma_semaphore, #tpu.memory_space<semaphore_mem>>
      %dma_start3A_13 = arith.constant 0 : i32
      %dma_start3A_14 = tpu.memref_slice %arg4[%mul3A_2, %dma_start3A_13] : memref<2048x1024xf32, #tpu.memory_space<hbm>> -> memref<64x1024xf32, #tpu.memory_space<hbm>>
      %dma_start3A_15 = arith.constant 0 : i32
      %dma_start3A_16 = tpu.memref_slice %arg4[%mul3A_2, %dma_start3A_15] : memref<2048x1024xf32, #tpu.memory_space<hbm>> -> memref<64x1024xf32, #tpu.memory_space<hbm>>
      tpu.enqueue_dma source(%dma_start3A_16 : memref<64x1024xf32, #tpu.memory_space<hbm>>) target(%arg7 : memref<64x1024xf32, #tpu.memory_space<vmem>>) target_semaphore(%run_scoped3A : memref<!tpu.dma_semaphore, #tpu.memory_space<semaphore_mem>>)
      %dma_wait3A_17 = arith.constant 0 : i32
      %dma_wait3A_18 = tpu.memref_slice %arg4[%mul3A_2, %dma_wait3A_17] : memref<2048x1024xf32, #tpu.memory_space<hbm>> -> memref<64x1024xf32, #tpu.memory_space<hbm>>
      %dma_wait3A_19 = arith.constant 0 : i32
      %dma_wait3A_20 = tpu.memref_slice %arg4[%mul3A_2, %dma_wait3A_19] : memref<2048x1024xf32, #tpu.memory_space<hbm>> -> memref<64x1024xf32, #tpu.memory_space<hbm>>
      tpu.wait_dma2 semaphore(%run_scoped3A : memref<!tpu.dma_semaphore, #tpu.memory_space<semaphore_mem>>) src(%dma_wait3A_20 : memref<64x1024xf32, #tpu.memory_space<hbm>>) dst(%arg7 : memref<64x1024xf32, #tpu.memory_space<vmem>>)
      tpu.yield
    }) : () -> ()
    "tpu.region"() ({
      %run_scoped3A = tpu.sem_alloc : memref<!tpu.dma_semaphore, #tpu.memory_space<semaphore_mem>>
      %dma_start3A_13 = tpu.memref_slice %arg2[%mul3A_2] : memref<2048xi32, #tpu.memory_space<hbm>> -> memref<64xi32, #tpu.memory_space<hbm>>
      %dma_start3A_14 = tpu.memref_slice %arg2[%mul3A_2] : memref<2048xi32, #tpu.memory_space<hbm>> -> memref<64xi32, #tpu.memory_space<hbm>>
      tpu.enqueue_dma source(%dma_start3A_14 : memref<64xi32, #tpu.memory_space<hbm>>) target(%arg6 : memref<64xi32, #tpu.memory_space<vmem>>) target_semaphore(%run_scoped3A : memref<!tpu.dma_semaphore, #tpu.memory_space<semaphore_mem>>)
      %dma_wait3A_15 = tpu.memref_slice %arg2[%mul3A_2] : memref<2048xi32, #tpu.memory_space<hbm>> -> memref<64xi32, #tpu.memory_space<hbm>>
      %dma_wait3A_16 = tpu.memref_slice %arg2[%mul3A_2] : memref<2048xi32, #tpu.memory_space<hbm>> -> memref<64xi32, #tpu.memory_space<hbm>>
      tpu.wait_dma2 semaphore(%run_scoped3A : memref<!tpu.dma_semaphore, #tpu.memory_space<semaphore_mem>>) src(%dma_wait3A_16 : memref<64xi32, #tpu.memory_space<hbm>>) dst(%arg6 : memref<64xi32, #tpu.memory_space<vmem>>)
      tpu.yield
    }) : () -> ()
    %dma_start3A = arith.constant 0 : i32
    %dma_start3A_3 = arith.constant 0 : i32
    %dma_start3A_4 = tpu.memref_slice %arg5[%dma_start3A, %dma_start3A_3] : memref<16384x1024xf32, #tpu.memory_space<hbm>> -> memref<16384x1024xf32, #tpu.memory_space<hbm>>
    tpu.enqueue_indirect_dma source(%arg7 : memref<64x1024xf32, #tpu.memory_space<vmem>>) target(%dma_start3A_4 : memref<16384x1024xf32, #tpu.memory_space<hbm>>) offsets(%arg6 : memref<64xi32, #tpu.memory_space<vmem>>) semaphore(%arg8 : memref<!tpu.dma_semaphore, #tpu.memory_space<semaphore_mem>>)
    %dma_wait3A = arith.constant 0 : i32
    %dma_wait3A_5 = arith.constant 0 : i32
    %dma_wait3A_6 = tpu.memref_slice %arg5[%dma_wait3A, %dma_wait3A_5] : memref<16384x1024xf32, #tpu.memory_space<hbm>> -> memref<16384x1024xf32, #tpu.memory_space<hbm>>
    tpu.wait_indirect_dma semaphore(%arg8 : memref<!tpu.dma_semaphore, #tpu.memory_space<semaphore_mem>>) src(%arg7 : memref<64x1024xf32, #tpu.memory_space<vmem>>) dst(%dma_wait3A_6 : memref<16384x1024xf32, #tpu.memory_space<hbm>>)
    "tpu.region"() ({
      %run_scoped3A = tpu.sem_alloc : memref<!tpu.dma_semaphore, #tpu.memory_space<semaphore_mem>>
      %dma_start3A_13 = tpu.memref_slice %arg3[%mul3A_2] : memref<2048xi32, #tpu.memory_space<hbm>> -> memref<64xi32, #tpu.memory_space<hbm>>
      %dma_start3A_14 = tpu.memref_slice %arg3[%mul3A_2] : memref<2048xi32, #tpu.memory_space<hbm>> -> memref<64xi32, #tpu.memory_space<hbm>>
      tpu.enqueue_dma source(%dma_start3A_14 : memref<64xi32, #tpu.memory_space<hbm>>) target(%arg6 : memref<64xi32, #tpu.memory_space<vmem>>) target_semaphore(%run_scoped3A : memref<!tpu.dma_semaphore, #tpu.memory_space<semaphore_mem>>)
      %dma_wait3A_15 = tpu.memref_slice %arg3[%mul3A_2] : memref<2048xi32, #tpu.memory_space<hbm>> -> memref<64xi32, #tpu.memory_space<hbm>>
      %dma_wait3A_16 = tpu.memref_slice %arg3[%mul3A_2] : memref<2048xi32, #tpu.memory_space<hbm>> -> memref<64xi32, #tpu.memory_space<hbm>>
      tpu.wait_dma2 semaphore(%run_scoped3A : memref<!tpu.dma_semaphore, #tpu.memory_space<semaphore_mem>>) src(%dma_wait3A_16 : memref<64xi32, #tpu.memory_space<hbm>>) dst(%arg6 : memref<64xi32, #tpu.memory_space<vmem>>)
      tpu.yield
    }) : () -> ()
    %dma_start3A_7 = arith.constant 0 : i32
    %dma_start3A_8 = arith.constant 0 : i32
    %dma_start3A_9 = tpu.memref_slice %arg5[%dma_start3A_7, %dma_start3A_8] : memref<16384x1024xf32, #tpu.memory_space<hbm>> -> memref<16384x1024xf32, #tpu.memory_space<hbm>>
    tpu.enqueue_indirect_dma source(%arg7 : memref<64x1024xf32, #tpu.memory_space<vmem>>) target(%dma_start3A_9 : memref<16384x1024xf32, #tpu.memory_space<hbm>>) offsets(%arg6 : memref<64xi32, #tpu.memory_space<vmem>>) semaphore(%arg8 : memref<!tpu.dma_semaphore, #tpu.memory_space<semaphore_mem>>)
    %dma_wait3A_10 = arith.constant 0 : i32
    %dma_wait3A_11 = arith.constant 0 : i32
    %dma_wait3A_12 = tpu.memref_slice %arg5[%dma_wait3A_10, %dma_wait3A_11] : memref<16384x1024xf32, #tpu.memory_space<hbm>> -> memref<16384x1024xf32, #tpu.memory_space<hbm>>
    tpu.wait_indirect_dma semaphore(%arg8 : memref<!tpu.dma_semaphore, #tpu.memory_space<semaphore_mem>>) src(%arg7 : memref<64x1024xf32, #tpu.memory_space<vmem>>) dst(%dma_wait3A_12 : memref<16384x1024xf32, #tpu.memory_space<hbm>>)
    return
  }
}

module attributes {stable_mosaic.version = 14 : i64} {
  func.func @_routing_body(%arg0: memref<2048x1024xf32, #tpu.memory_space<vmem>>, %arg1: memref<128x1024xf32, #tpu.memory_space<vmem>>, %arg2: memref<2048x1xi32, #tpu.memory_space<vmem>>, %arg3: memref<2048x1xi32, #tpu.memory_space<vmem>>, %arg4: memref<2048x1xf32, #tpu.memory_space<vmem>>, %arg5: memref<2048x1xf32, #tpu.memory_space<vmem>>, %arg6: memref<1x128xf32, #tpu.memory_space<vmem>>, %arg7: memref<1x1xf32, #tpu.memory_space<vmem>>, %arg8: memref<2048x128xf32, #tpu.memory_space<vmem>>) attributes {dimension_semantics = [], scalar_prefetch = 0 : i64, scratch_operands = 1 : i64, tpu.core_type = #tpu.core_type<tc>} {
    %get3A = arith.constant 0 : index
    %get3A_0 = arith.constant 0 : index
    %get3A_1 = vector.load %arg0[%get3A, %get3A_0] : memref<2048x1024xf32, #tpu.memory_space<vmem>>, vector<2048x1024xf32>
    %get3A_2 = arith.constant 0 : index
    %get3A_3 = arith.constant 0 : index
    %get3A_4 = vector.load %arg1[%get3A_2, %get3A_3] : memref<128x1024xf32, #tpu.memory_space<vmem>>, vector<128x1024xf32>
    %dot_general3A = arith.constant dense<0.000000e+00> : vector<2048x128xf32>
    %dot_general3A_5 = tpu.matmul %get3A_1, %get3A_4, %dot_general3A {dimension_numbers = #tpu.dot_dimension_numbers<[1], [1], [0], [0], [0, 0, 1, 0], [], []>, transpose_lhs_hint = false} : vector<2048x1024xf32>, vector<128x1024xf32>, vector<2048x128xf32> -> vector<2048x128xf32>
    %iota3A = tpu.iota {dimensions = array<i32: 1>} : vector<2048x128xi32>
    %lt3A = arith.constant 8 : i32
    %lt3A_6 = vector.broadcast %lt3A : i32 to vector<2048x128xi32>
    %lt3A_7 = arith.cmpi slt, %iota3A, %lt3A_6 : vector<2048x128xi32>
    %jit3A = arith.constant -1.000000e+30 : f32
    %broadcast_in_dim3A = vector.broadcast %jit3A : f32 to vector<2048x128xf32>
    %select_n3A = arith.select %lt3A_7, %dot_general3A_5, %broadcast_in_dim3A : vector<2048x128xi1>, vector<2048x128xf32>
    %reduce_max3A = arith.constant dense<0xFF800000> : vector<2048xf32>
    %reduce_max3A_8 = vector.multi_reduction <maximumf>, %select_n3A, %reduce_max3A [1] : vector<2048x128xf32> to vector<2048xf32>
    %broadcast_in_dim3A_9 = vector.shape_cast %reduce_max3A_8 : vector<2048xf32> to vector<2048x1xf32>
    %sub3A = vector.broadcast %broadcast_in_dim3A_9 : vector<2048x1xf32> to vector<2048x128xf32>
    %sub3A_10 = arith.subf %select_n3A, %sub3A : vector<2048x128xf32>
    %exp3A = math.exp %sub3A_10 : vector<2048x128xf32>
    %reduce_sum3A = arith.constant dense<0.000000e+00> : vector<2048xf32>
    %reduce_sum3A_11 = vector.multi_reduction <add>, %exp3A, %reduce_sum3A [1] : vector<2048x128xf32> to vector<2048xf32>
    %broadcast_in_dim3A_12 = vector.shape_cast %reduce_sum3A_11 : vector<2048xf32> to vector<2048x1xf32>
    %div3A = vector.broadcast %broadcast_in_dim3A_12 : vector<2048x1xf32> to vector<2048x128xf32>
    %div3A_13 = arith.divf %exp3A, %div3A : vector<2048x128xf32>
    %reduce_max3A_14 = arith.constant dense<0xFF800000> : vector<2048xf32>
    %reduce_max3A_15 = vector.multi_reduction <maximumf>, %div3A_13, %reduce_max3A_14 [1] : vector<2048x128xf32> to vector<2048xf32>
    %broadcast_in_dim3A_16 = vector.shape_cast %reduce_max3A_15 : vector<2048xf32> to vector<2048x1xf32>
    %eq3A = vector.broadcast %broadcast_in_dim3A_16 : vector<2048x1xf32> to vector<2048x128xf32>
    %eq3A_17 = arith.cmpf oeq, %div3A_13, %eq3A : vector<2048x128xf32>
    %jit3A_18 = arith.constant 128 : i32
    %broadcast_in_dim3A_19 = vector.broadcast %jit3A_18 : i32 to vector<2048x128xi32>
    %select_n3A_20 = arith.select %eq3A_17, %iota3A, %broadcast_in_dim3A_19 : vector<2048x128xi1>, vector<2048x128xi32>
    %reduce_min3A = arith.constant dense<2147483647> : vector<2048xi32>
    %reduce_min3A_21 = vector.multi_reduction <minsi>, %select_n3A_20, %reduce_min3A [1] : vector<2048x128xi32> to vector<2048xi32>
    %broadcast_in_dim3A_22 = vector.shape_cast %reduce_min3A_21 : vector<2048xi32> to vector<2048x1xi32>
    %eq3A_23 = vector.broadcast %broadcast_in_dim3A_22 : vector<2048x1xi32> to vector<2048x128xi32>
    %eq3A_24 = arith.cmpi eq, %iota3A, %eq3A_23 : vector<2048x128xi32>
    %jit3A_25 = arith.constant -1.000000e+00 : f32
    %broadcast_in_dim3A_26 = vector.broadcast %jit3A_25 : f32 to vector<2048x128xf32>
    %select_n3A_27 = arith.select %eq3A_24, %broadcast_in_dim3A_26, %div3A_13 : vector<2048x128xi1>, vector<2048x128xf32>
    %reduce_max3A_28 = arith.constant dense<0xFF800000> : vector<2048xf32>
    %reduce_max3A_29 = vector.multi_reduction <maximumf>, %select_n3A_27, %reduce_max3A_28 [1] : vector<2048x128xf32> to vector<2048xf32>
    %broadcast_in_dim3A_30 = vector.shape_cast %reduce_max3A_29 : vector<2048xf32> to vector<2048x1xf32>
    %eq3A_31 = vector.broadcast %broadcast_in_dim3A_30 : vector<2048x1xf32> to vector<2048x128xf32>
    %eq3A_32 = arith.cmpf oeq, %select_n3A_27, %eq3A_31 : vector<2048x128xf32>
    %jit3A_33 = arith.constant 128 : i32
    %broadcast_in_dim3A_34 = vector.broadcast %jit3A_33 : i32 to vector<2048x128xi32>
    %select_n3A_35 = arith.select %eq3A_32, %iota3A, %broadcast_in_dim3A_34 : vector<2048x128xi1>, vector<2048x128xi32>
    %reduce_min3A_36 = arith.constant dense<2147483647> : vector<2048xi32>
    %reduce_min3A_37 = vector.multi_reduction <minsi>, %select_n3A_35, %reduce_min3A_36 [1] : vector<2048x128xi32> to vector<2048xi32>
    %broadcast_in_dim3A_38 = vector.shape_cast %reduce_min3A_37 : vector<2048xi32> to vector<2048x1xi32>
    %add3A = arith.addf %broadcast_in_dim3A_16, %broadcast_in_dim3A_30 : vector<2048x1xf32>
    %div3A_39 = arith.divf %broadcast_in_dim3A_16, %add3A : vector<2048x1xf32>
    %swap3A = arith.constant 0 : index
    %swap3A_40 = arith.constant 0 : index
    %swap3A_41 = vector.load %arg4[%swap3A, %swap3A_40] : memref<2048x1xf32, #tpu.memory_space<vmem>>, vector<2048x1xf32>
    tpu.vector_store %arg4[%swap3A, %swap3A_40], %div3A_39 {strides = array<i32>} : memref<2048x1xf32, #tpu.memory_space<vmem>>, vector<2048x1xf32>,
    %div3A_42 = arith.divf %broadcast_in_dim3A_30, %add3A : vector<2048x1xf32>
    %swap3A_43 = arith.constant 0 : index
    %swap3A_44 = arith.constant 0 : index
    %swap3A_45 = vector.load %arg5[%swap3A_43, %swap3A_44] : memref<2048x1xf32, #tpu.memory_space<vmem>>, vector<2048x1xf32>
    tpu.vector_store %arg5[%swap3A_43, %swap3A_44], %div3A_42 {strides = array<i32>} : memref<2048x1xf32, #tpu.memory_space<vmem>>, vector<2048x1xf32>,
    %eq3A_46 = vector.broadcast %broadcast_in_dim3A_22 : vector<2048x1xi32> to vector<2048x128xi32>
    %eq3A_47 = arith.cmpi eq, %iota3A, %eq3A_46 : vector<2048x128xi32>
    %eq3A_48 = vector.broadcast %broadcast_in_dim3A_38 : vector<2048x1xi32> to vector<2048x128xi32>
    %eq3A_49 = arith.cmpi eq, %iota3A, %eq3A_48 : vector<2048x128xi32>
    %or3A = arith.ori %eq3A_47, %eq3A_49 : vector<2048x128xi1>
    %convert_element_type3A = arith.extui %or3A : vector<2048x128xi1> to vector<2048x128xi32>
    %convert_element_type3A_50 = arith.sitofp %convert_element_type3A : vector<2048x128xi32> to vector<2048x128xf32>
    %iota3A_51 = tpu.iota {dimensions = array<i32: 1>} : vector<256x256xi32>
    %iota3A_52 = tpu.iota {dimensions = array<i32: 0>} : vector<256x256xi32>
    %le3A = arith.cmpi sle, %iota3A_51, %iota3A_52 : vector<256x256xi32>
    %convert_element_type3A_53 = arith.extui %le3A : vector<256x256xi1> to vector<256x256xi32>
    %convert_element_type3A_54 = arith.sitofp %convert_element_type3A_53 : vector<256x256xi32> to vector<256x256xf32>
    %broadcast_in_dim3A_55 = arith.constant 0.000000e+00 : f32
    %broadcast_in_dim3A_56 = vector.broadcast %broadcast_in_dim3A_55 : f32 to vector<1x128xf32>
    %slice3A = vector.extract_strided_slice %convert_element_type3A_50 {offsets = [0, 0], sizes = [256, 128], strides = [1, 1]} : vector<2048x128xf32> to vector<256x128xf32>
    %dot_general3A_57 = arith.constant dense<0.000000e+00> : vector<256x128xf32>
    %dot_general3A_58 = tpu.matmul %convert_element_type3A_54, %slice3A, %dot_general3A_57 {dimension_numbers = #tpu.dot_dimension_numbers<[1], [0], [0], [1], [0, 0, 1, 1], [], []>, transpose_lhs_hint = false} : vector<256x256xf32>, vector<256x128xf32>, vector<256x128xf32> -> vector<256x128xf32>
    %add3A_59 = vector.broadcast %broadcast_in_dim3A_56 : vector<1x128xf32> to vector<256x128xf32>
    %add3A_60 = arith.addf %add3A_59, %dot_general3A_58 : vector<256x128xf32>
    %swap3A_61 = arith.constant 0 : index
    %swap3A_62 = arith.constant 0 : index
    %swap3A_63 = vector.load %arg8[%swap3A_61, %swap3A_62] : memref<2048x128xf32, #tpu.memory_space<vmem>>, vector<256x128xf32>
    tpu.vector_store %arg8[%swap3A_61, %swap3A_62], %add3A_60 {strides = array<i32>} : memref<2048x128xf32, #tpu.memory_space<vmem>>, vector<256x128xf32>,
    %reduce_sum3A_64 = arith.constant dense<0.000000e+00> : vector<128xf32>
    %reduce_sum3A_65 = vector.multi_reduction <add>, %slice3A, %reduce_sum3A_64 [0] : vector<256x128xf32> to vector<128xf32>
    %broadcast_in_dim3A_66 = vector.shape_cast %reduce_sum3A_65 : vector<128xf32> to vector<1x128xf32>
    %add3A_67 = arith.addf %broadcast_in_dim3A_56, %broadcast_in_dim3A_66 : vector<1x128xf32>
    %slice3A_68 = vector.extract_strided_slice %convert_element_type3A_50 {offsets = [256, 0], sizes = [256, 128], strides = [1, 1]} : vector<2048x128xf32> to vector<256x128xf32>
    %dot_general3A_69 = arith.constant dense<0.000000e+00> : vector<256x128xf32>
    %dot_general3A_70 = tpu.matmul %convert_element_type3A_54, %slice3A_68, %dot_general3A_69 {dimension_numbers = #tpu.dot_dimension_numbers<[1], [0], [0], [1], [0, 0, 1, 1], [], []>, transpose_lhs_hint = false} : vector<256x256xf32>, vector<256x128xf32>, vector<256x128xf32> -> vector<256x128xf32>
    %add3A_71 = vector.broadcast %add3A_67 : vector<1x128xf32> to vector<256x128xf32>
    %add3A_72 = arith.addf %add3A_71, %dot_general3A_70 : vector<256x128xf32>
    %swap3A_73 = arith.constant 256 : index
    %swap3A_74 = arith.constant 0 : index
    %swap3A_75 = vector.load %arg8[%swap3A_73, %swap3A_74] : memref<2048x128xf32, #tpu.memory_space<vmem>>, vector<256x128xf32>
    tpu.vector_store %arg8[%swap3A_73, %swap3A_74], %add3A_72 {strides = array<i32>} : memref<2048x128xf32, #tpu.memory_space<vmem>>, vector<256x128xf32>,
    %reduce_sum3A_76 = arith.constant dense<0.000000e+00> : vector<128xf32>
    %reduce_sum3A_77 = vector.multi_reduction <add>, %slice3A_68, %reduce_sum3A_76 [0] : vector<256x128xf32> to vector<128xf32>
    %broadcast_in_dim3A_78 = vector.shape_cast %reduce_sum3A_77 : vector<128xf32> to vector<1x128xf32>
    %add3A_79 = arith.addf %add3A_67, %broadcast_in_dim3A_78 : vector<1x128xf32>
    %slice3A_80 = vector.extract_strided_slice %convert_element_type3A_50 {offsets = [512, 0], sizes = [256, 128], strides = [1, 1]} : vector<2048x128xf32> to vector<256x128xf32>
    %dot_general3A_81 = arith.constant dense<0.000000e+00> : vector<256x128xf32>
    %dot_general3A_82 = tpu.matmul %convert_element_type3A_54, %slice3A_80, %dot_general3A_81 {dimension_numbers = #tpu.dot_dimension_numbers<[1], [0], [0], [1], [0, 0, 1, 1], [], []>, transpose_lhs_hint = false} : vector<256x256xf32>, vector<256x128xf32>, vector<256x128xf32> -> vector<256x128xf32>
    %add3A_83 = vector.broadcast %add3A_79 : vector<1x128xf32> to vector<256x128xf32>
    %add3A_84 = arith.addf %add3A_83, %dot_general3A_82 : vector<256x128xf32>
    %swap3A_85 = arith.constant 512 : index
    %swap3A_86 = arith.constant 0 : index
    %swap3A_87 = vector.load %arg8[%swap3A_85, %swap3A_86] : memref<2048x128xf32, #tpu.memory_space<vmem>>, vector<256x128xf32>
    tpu.vector_store %arg8[%swap3A_85, %swap3A_86], %add3A_84 {strides = array<i32>} : memref<2048x128xf32, #tpu.memory_space<vmem>>, vector<256x128xf32>,
    %reduce_sum3A_88 = arith.constant dense<0.000000e+00> : vector<128xf32>
    %reduce_sum3A_89 = vector.multi_reduction <add>, %slice3A_80, %reduce_sum3A_88 [0] : vector<256x128xf32> to vector<128xf32>
    %broadcast_in_dim3A_90 = vector.shape_cast %reduce_sum3A_89 : vector<128xf32> to vector<1x128xf32>
    %add3A_91 = arith.addf %add3A_79, %broadcast_in_dim3A_90 : vector<1x128xf32>
    %slice3A_92 = vector.extract_strided_slice %convert_element_type3A_50 {offsets = [768, 0], sizes = [256, 128], strides = [1, 1]} : vector<2048x128xf32> to vector<256x128xf32>
    %dot_general3A_93 = arith.constant dense<0.000000e+00> : vector<256x128xf32>
    %dot_general3A_94 = tpu.matmul %convert_element_type3A_54, %slice3A_92, %dot_general3A_93 {dimension_numbers = #tpu.dot_dimension_numbers<[1], [0], [0], [1], [0, 0, 1, 1], [], []>, transpose_lhs_hint = false} : vector<256x256xf32>, vector<256x128xf32>, vector<256x128xf32> -> vector<256x128xf32>
    %add3A_95 = vector.broadcast %add3A_91 : vector<1x128xf32> to vector<256x128xf32>
    %add3A_96 = arith.addf %add3A_95, %dot_general3A_94 : vector<256x128xf32>
    %swap3A_97 = arith.constant 768 : index
    %swap3A_98 = arith.constant 0 : index
    %swap3A_99 = vector.load %arg8[%swap3A_97, %swap3A_98] : memref<2048x128xf32, #tpu.memory_space<vmem>>, vector<256x128xf32>
    tpu.vector_store %arg8[%swap3A_97, %swap3A_98], %add3A_96 {strides = array<i32>} : memref<2048x128xf32, #tpu.memory_space<vmem>>, vector<256x128xf32>,
    %reduce_sum3A_100 = arith.constant dense<0.000000e+00> : vector<128xf32>
    %reduce_sum3A_101 = vector.multi_reduction <add>, %slice3A_92, %reduce_sum3A_100 [0] : vector<256x128xf32> to vector<128xf32>
    %broadcast_in_dim3A_102 = vector.shape_cast %reduce_sum3A_101 : vector<128xf32> to vector<1x128xf32>
    %add3A_103 = arith.addf %add3A_91, %broadcast_in_dim3A_102 : vector<1x128xf32>
    %slice3A_104 = vector.extract_strided_slice %convert_element_type3A_50 {offsets = [1024, 0], sizes = [256, 128], strides = [1, 1]} : vector<2048x128xf32> to vector<256x128xf32>
    %dot_general3A_105 = arith.constant dense<0.000000e+00> : vector<256x128xf32>
    %dot_general3A_106 = tpu.matmul %convert_element_type3A_54, %slice3A_104, %dot_general3A_105 {dimension_numbers = #tpu.dot_dimension_numbers<[1], [0], [0], [1], [0, 0, 1, 1], [], []>, transpose_lhs_hint = false} : vector<256x256xf32>, vector<256x128xf32>, vector<256x128xf32> -> vector<256x128xf32>
    %add3A_107 = vector.broadcast %add3A_103 : vector<1x128xf32> to vector<256x128xf32>
    %add3A_108 = arith.addf %add3A_107, %dot_general3A_106 : vector<256x128xf32>
    %swap3A_109 = arith.constant 1024 : index
    %swap3A_110 = arith.constant 0 : index
    %swap3A_111 = vector.load %arg8[%swap3A_109, %swap3A_110] : memref<2048x128xf32, #tpu.memory_space<vmem>>, vector<256x128xf32>
    tpu.vector_store %arg8[%swap3A_109, %swap3A_110], %add3A_108 {strides = array<i32>} : memref<2048x128xf32, #tpu.memory_space<vmem>>, vector<256x128xf32>,
    %reduce_sum3A_112 = arith.constant dense<0.000000e+00> : vector<128xf32>
    %reduce_sum3A_113 = vector.multi_reduction <add>, %slice3A_104, %reduce_sum3A_112 [0] : vector<256x128xf32> to vector<128xf32>
    %broadcast_in_dim3A_114 = vector.shape_cast %reduce_sum3A_113 : vector<128xf32> to vector<1x128xf32>
    %add3A_115 = arith.addf %add3A_103, %broadcast_in_dim3A_114 : vector<1x128xf32>
    %slice3A_116 = vector.extract_strided_slice %convert_element_type3A_50 {offsets = [1280, 0], sizes = [256, 128], strides = [1, 1]} : vector<2048x128xf32> to vector<256x128xf32>
    %dot_general3A_117 = arith.constant dense<0.000000e+00> : vector<256x128xf32>
    %dot_general3A_118 = tpu.matmul %convert_element_type3A_54, %slice3A_116, %dot_general3A_117 {dimension_numbers = #tpu.dot_dimension_numbers<[1], [0], [0], [1], [0, 0, 1, 1], [], []>, transpose_lhs_hint = false} : vector<256x256xf32>, vector<256x128xf32>, vector<256x128xf32> -> vector<256x128xf32>
    %add3A_119 = vector.broadcast %add3A_115 : vector<1x128xf32> to vector<256x128xf32>
    %add3A_120 = arith.addf %add3A_119, %dot_general3A_118 : vector<256x128xf32>
    %swap3A_121 = arith.constant 1280 : index
    %swap3A_122 = arith.constant 0 : index
    %swap3A_123 = vector.load %arg8[%swap3A_121, %swap3A_122] : memref<2048x128xf32, #tpu.memory_space<vmem>>, vector<256x128xf32>
    tpu.vector_store %arg8[%swap3A_121, %swap3A_122], %add3A_120 {strides = array<i32>} : memref<2048x128xf32, #tpu.memory_space<vmem>>, vector<256x128xf32>,
    %reduce_sum3A_124 = arith.constant dense<0.000000e+00> : vector<128xf32>
    %reduce_sum3A_125 = vector.multi_reduction <add>, %slice3A_116, %reduce_sum3A_124 [0] : vector<256x128xf32> to vector<128xf32>
    %broadcast_in_dim3A_126 = vector.shape_cast %reduce_sum3A_125 : vector<128xf32> to vector<1x128xf32>
    %add3A_127 = arith.addf %add3A_115, %broadcast_in_dim3A_126 : vector<1x128xf32>
    %slice3A_128 = vector.extract_strided_slice %convert_element_type3A_50 {offsets = [1536, 0], sizes = [256, 128], strides = [1, 1]} : vector<2048x128xf32> to vector<256x128xf32>
    %dot_general3A_129 = arith.constant dense<0.000000e+00> : vector<256x128xf32>
    %dot_general3A_130 = tpu.matmul %convert_element_type3A_54, %slice3A_128, %dot_general3A_129 {dimension_numbers = #tpu.dot_dimension_numbers<[1], [0], [0], [1], [0, 0, 1, 1], [], []>, transpose_lhs_hint = false} : vector<256x256xf32>, vector<256x128xf32>, vector<256x128xf32> -> vector<256x128xf32>
    %add3A_131 = vector.broadcast %add3A_127 : vector<1x128xf32> to vector<256x128xf32>
    %add3A_132 = arith.addf %add3A_131, %dot_general3A_130 : vector<256x128xf32>
    %swap3A_133 = arith.constant 1536 : index
    %swap3A_134 = arith.constant 0 : index
    %swap3A_135 = vector.load %arg8[%swap3A_133, %swap3A_134] : memref<2048x128xf32, #tpu.memory_space<vmem>>, vector<256x128xf32>
    tpu.vector_store %arg8[%swap3A_133, %swap3A_134], %add3A_132 {strides = array<i32>} : memref<2048x128xf32, #tpu.memory_space<vmem>>, vector<256x128xf32>,
    %reduce_sum3A_136 = arith.constant dense<0.000000e+00> : vector<128xf32>
    %reduce_sum3A_137 = vector.multi_reduction <add>, %slice3A_128, %reduce_sum3A_136 [0] : vector<256x128xf32> to vector<128xf32>
    %broadcast_in_dim3A_138 = vector.shape_cast %reduce_sum3A_137 : vector<128xf32> to vector<1x128xf32>
    %add3A_139 = arith.addf %add3A_127, %broadcast_in_dim3A_138 : vector<1x128xf32>
    %slice3A_140 = vector.extract_strided_slice %convert_element_type3A_50 {offsets = [1792, 0], sizes = [256, 128], strides = [1, 1]} : vector<2048x128xf32> to vector<256x128xf32>
    %dot_general3A_141 = arith.constant dense<0.000000e+00> : vector<256x128xf32>
    %dot_general3A_142 = tpu.matmul %convert_element_type3A_54, %slice3A_140, %dot_general3A_141 {dimension_numbers = #tpu.dot_dimension_numbers<[1], [0], [0], [1], [0, 0, 1, 1], [], []>, transpose_lhs_hint = false} : vector<256x256xf32>, vector<256x128xf32>, vector<256x128xf32> -> vector<256x128xf32>
    %add3A_143 = vector.broadcast %add3A_139 : vector<1x128xf32> to vector<256x128xf32>
    %add3A_144 = arith.addf %add3A_143, %dot_general3A_142 : vector<256x128xf32>
    %swap3A_145 = arith.constant 1792 : index
    %swap3A_146 = arith.constant 0 : index
    %swap3A_147 = vector.load %arg8[%swap3A_145, %swap3A_146] : memref<2048x128xf32, #tpu.memory_space<vmem>>, vector<256x128xf32>
    tpu.vector_store %arg8[%swap3A_145, %swap3A_146], %add3A_144 {strides = array<i32>} : memref<2048x128xf32, #tpu.memory_space<vmem>>, vector<256x128xf32>,
    %reduce_sum3A_148 = arith.constant dense<0.000000e+00> : vector<128xf32>
    %reduce_sum3A_149 = vector.multi_reduction <add>, %slice3A_140, %reduce_sum3A_148 [0] : vector<256x128xf32> to vector<128xf32>
    %broadcast_in_dim3A_150 = vector.shape_cast %reduce_sum3A_149 : vector<128xf32> to vector<1x128xf32>
    %add3A_151 = arith.addf %add3A_139, %broadcast_in_dim3A_150 : vector<1x128xf32>
    %swap3A_152 = arith.constant 0 : index
    %swap3A_153 = arith.constant 0 : index
    %swap3A_154 = vector.load %arg6[%swap3A_152, %swap3A_153] : memref<1x128xf32, #tpu.memory_space<vmem>>, vector<1x128xf32>
    tpu.vector_store %arg6[%swap3A_152, %swap3A_153], %add3A_151 {strides = array<i32>} : memref<1x128xf32, #tpu.memory_space<vmem>>, vector<1x128xf32>,
    %get3A_155 = arith.constant 0 : index
    %get3A_156 = arith.constant 0 : index
    %get3A_157 = vector.load %arg8[%get3A_155, %get3A_156] : memref<2048x128xf32, #tpu.memory_space<vmem>>, vector<2048x128xf32>
    %eq3A_158 = vector.broadcast %broadcast_in_dim3A_22 : vector<2048x1xi32> to vector<2048x128xi32>
    %eq3A_159 = arith.cmpi eq, %iota3A, %eq3A_158 : vector<2048x128xi32>
    %jit3A_160 = arith.constant 0.000000e+00 : f32
    %broadcast_in_dim3A_161 = vector.broadcast %jit3A_160 : f32 to vector<2048x128xf32>
    %select_n3A_162 = arith.select %eq3A_159, %get3A_157, %broadcast_in_dim3A_161 : vector<2048x128xi1>, vector<2048x128xf32>
    %reduce_sum3A_163 = arith.constant dense<0.000000e+00> : vector<2048xf32>
    %reduce_sum3A_164 = vector.multi_reduction <add>, %select_n3A_162, %reduce_sum3A_163 [1] : vector<2048x128xf32> to vector<2048xf32>
    %broadcast_in_dim3A_165 = vector.shape_cast %reduce_sum3A_164 : vector<2048xf32> to vector<2048x1xf32>
    %eq3A_166 = vector.broadcast %broadcast_in_dim3A_38 : vector<2048x1xi32> to vector<2048x128xi32>
    %eq3A_167 = arith.cmpi eq, %iota3A, %eq3A_166 : vector<2048x128xi32>
    %jit3A_168 = arith.constant 0.000000e+00 : f32
    %broadcast_in_dim3A_169 = vector.broadcast %jit3A_168 : f32 to vector<2048x128xf32>
    %select_n3A_170 = arith.select %eq3A_167, %get3A_157, %broadcast_in_dim3A_169 : vector<2048x128xi1>, vector<2048x128xf32>
    %reduce_sum3A_171 = arith.constant dense<0.000000e+00> : vector<2048xf32>
    %reduce_sum3A_172 = vector.multi_reduction <add>, %select_n3A_170, %reduce_sum3A_171 [1] : vector<2048x128xf32> to vector<2048xf32>
    %broadcast_in_dim3A_173 = vector.shape_cast %reduce_sum3A_172 : vector<2048xf32> to vector<2048x1xf32>
    %mul3A = arith.constant 2048 : i32
    %mul3A_174 = vector.broadcast %mul3A : i32 to vector<2048x1xi32>
    %mul3A_175 = arith.muli %broadcast_in_dim3A_22, %mul3A_174 : vector<2048x1xi32>
    %sub3A_176 = arith.constant 1.000000e+00 : f32
    %sub3A_177 = vector.broadcast %sub3A_176 : f32 to vector<2048x1xf32>
    %sub3A_178 = arith.subf %broadcast_in_dim3A_165, %sub3A_177 : vector<2048x1xf32>
    %convert_element_type3A_179 = arith.fptosi %sub3A_178 : vector<2048x1xf32> to vector<2048x1xi32>
    %add3A_180 = arith.addi %mul3A_175, %convert_element_type3A_179 : vector<2048x1xi32>
    %swap3A_181 = arith.constant 0 : index
    %swap3A_182 = arith.constant 0 : index
    %swap3A_183 = vector.load %arg2[%swap3A_181, %swap3A_182] : memref<2048x1xi32, #tpu.memory_space<vmem>>, vector<2048x1xi32>
    tpu.vector_store %arg2[%swap3A_181, %swap3A_182], %add3A_180 {strides = array<i32>} : memref<2048x1xi32, #tpu.memory_space<vmem>>, vector<2048x1xi32>,
    %mul3A_184 = arith.constant 2048 : i32
    %mul3A_185 = vector.broadcast %mul3A_184 : i32 to vector<2048x1xi32>
    %mul3A_186 = arith.muli %broadcast_in_dim3A_38, %mul3A_185 : vector<2048x1xi32>
    %sub3A_187 = arith.constant 1.000000e+00 : f32
    %sub3A_188 = vector.broadcast %sub3A_187 : f32 to vector<2048x1xf32>
    %sub3A_189 = arith.subf %broadcast_in_dim3A_173, %sub3A_188 : vector<2048x1xf32>
    %convert_element_type3A_190 = arith.fptosi %sub3A_189 : vector<2048x1xf32> to vector<2048x1xi32>
    %add3A_191 = arith.addi %mul3A_186, %convert_element_type3A_190 : vector<2048x1xi32>
    %swap3A_192 = arith.constant 0 : index
    %swap3A_193 = arith.constant 0 : index
    %swap3A_194 = vector.load %arg3[%swap3A_192, %swap3A_193] : memref<2048x1xi32, #tpu.memory_space<vmem>>, vector<2048x1xi32>
    tpu.vector_store %arg3[%swap3A_192, %swap3A_193], %add3A_191 {strides = array<i32>} : memref<2048x1xi32, #tpu.memory_space<vmem>>, vector<2048x1xi32>,
    %div3A_195 = arith.constant 4.096000e+03 : f32
    %div3A_196 = vector.broadcast %div3A_195 : f32 to vector<1x128xf32>
    %div3A_197 = arith.divf %add3A_151, %div3A_196 : vector<1x128xf32>
    %reduce_sum3A_198 = arith.constant dense<0.000000e+00> : vector<128xf32>
    %reduce_sum3A_199 = vector.multi_reduction <add>, %div3A_13, %reduce_sum3A_198 [0] : vector<2048x128xf32> to vector<128xf32>
    %broadcast_in_dim3A_200 = vector.shape_cast %reduce_sum3A_199 : vector<128xf32> to vector<1x128xf32>
    %div3A_201 = arith.constant 2.048000e+03 : f32
    %div3A_202 = vector.broadcast %div3A_201 : f32 to vector<1x128xf32>
    %div3A_203 = arith.divf %broadcast_in_dim3A_200, %div3A_202 : vector<1x128xf32>
    %mul3A_204 = arith.mulf %div3A_197, %div3A_203 : vector<1x128xf32>
    %reduce_sum3A_205 = vector.shape_cast %mul3A_204 : vector<1x128xf32> to vector<1x1x128xf32>
    %reduce_sum3A_206 = arith.constant dense<0.000000e+00> : vector<1xf32>
    %reduce_sum3A_207 = vector.multi_reduction <add>, %reduce_sum3A_205, %reduce_sum3A_206 [1, 2] : vector<1x1x128xf32> to vector<1xf32>
    %reduce_sum3A_208 = vector.shape_cast %reduce_sum3A_207 : vector<1xf32> to vector<1x1x1xf32>
    %reduce_sum3A_209 = vector.extract %reduce_sum3A_208[0, 0, 0] : f32 from vector<1x1x1xf32>
    %mul3A_210 = arith.constant 8.000000e+00 : f32
    %mul3A_211 = arith.mulf %mul3A_210, %reduce_sum3A_209 : f32
    %log3A = math.log %broadcast_in_dim3A_12 : vector<2048x1xf32>
    %add3A_212 = arith.addf %log3A, %broadcast_in_dim3A_9 : vector<2048x1xf32>
    %mul3A_213 = arith.mulf %add3A_212, %add3A_212 : vector<2048x1xf32>
    %reduce_sum3A_214 = vector.shape_cast %mul3A_213 : vector<2048x1xf32> to vector<1x2048x1xf32>
    %reduce_sum3A_215 = arith.constant dense<0.000000e+00> : vector<1xf32>
    %reduce_sum3A_216 = vector.multi_reduction <add>, %reduce_sum3A_214, %reduce_sum3A_215 [1, 2] : vector<1x2048x1xf32> to vector<1xf32>
    %reduce_sum3A_217 = vector.shape_cast %reduce_sum3A_216 : vector<1xf32> to vector<1x1x1xf32>
    %reduce_sum3A_218 = vector.extract %reduce_sum3A_217[0, 0, 0] : f32 from vector<1x1x1xf32>
    %div3A_219 = arith.constant 2.048000e+03 : f32
    %div3A_220 = arith.divf %reduce_sum3A_218, %div3A_219 : f32
    %mul3A_221 = arith.constant 0.00999999977 : f32
    %mul3A_222 = arith.mulf %mul3A_221, %mul3A_211 : f32
    %mul3A_223 = arith.constant 1.000000e-03 : f32
    %mul3A_224 = arith.mulf %mul3A_223, %div3A_220 : f32
    %add3A_225 = arith.addf %mul3A_222, %mul3A_224 : f32
    %reshape3A = vector.broadcast %add3A_225 : f32 to vector<1x1xf32>
    %swap3A_226 = arith.constant 0 : index
    %swap3A_227 = arith.constant 0 : index
    %swap3A_228 = vector.load %arg7[%swap3A_226, %swap3A_227] : memref<1x1xf32, #tpu.memory_space<vmem>>, vector<1x1xf32>
    tpu.vector_store %arg7[%swap3A_226, %swap3A_227], %reshape3A {strides = array<i32>} : memref<1x1xf32, #tpu.memory_space<vmem>>, vector<1x1xf32>,
    return
  }
}

module attributes {stable_mosaic.version = 14 : i64} {
  func.func @_ffn_body(%arg0: i32, %arg1: i32, %arg2: i32, %arg3: memref<64xi32, #tpu.memory_space<smem>>, %arg4: memref<256x1024xf32, #tpu.memory_space<vmem>>, %arg5: memref<1x1024x1024xf32, #tpu.memory_space<vmem>>, %arg6: memref<1x1x1024xf32, #tpu.memory_space<vmem>>, %arg7: memref<1x1024x1024xf32, #tpu.memory_space<vmem>>, %arg8: memref<1x1x1024xf32, #tpu.memory_space<vmem>>, %arg9: memref<256x1024xf32, #tpu.memory_space<vmem>>) attributes {dimension_semantics = [#tpu.dimension_semantics<arbitrary>, #tpu.dimension_semantics<arbitrary>, #tpu.dimension_semantics<arbitrary>], iteration_bounds = array<i64: 8, 8, 2>, scalar_prefetch = 1 : i64, scratch_operands = 0 : i64, tpu.core_type = #tpu.core_type<tc>, window_params = [{transform_indices = @transform_0, window_bounds = array<i64: 256, 1024>}, {transform_indices = @transform_1, window_bounds = array<i64: 1, 1024, 1024>}, {transform_indices = @transform_2, window_bounds = array<i64: 1, 1, 1024>}, {transform_indices = @transform_3, window_bounds = array<i64: 1, 1024, 1024>}, {transform_indices = @transform_4, window_bounds = array<i64: 1, 1, 1024>}, {transform_indices = @transform_5, window_bounds = array<i64: 256, 1024>}]} {
    %mul3A = arith.constant 8 : i32
    %mul3A_0 = arith.muli %arg0, %mul3A : i32
    %add3A = arith.addi %mul3A_0, %arg1 : i32
    %get3A = arith.index_cast %add3A : i32 to index
    %get3A_1 = memref.load %arg3[%get3A] : memref<64xi32, #tpu.memory_space<smem>>
    %eq3A = arith.constant 1 : i32
    %eq3A_2 = arith.cmpi eq, %get3A_1, %eq3A : i32
    %convert_element_type3A = arith.extui %eq3A_2 : i1 to i32
    %cond3A = arith.constant 0 : i32
    %cond3A_3 = arith.cmpi ne, %convert_element_type3A, %cond3A : i32
    scf.if %cond3A_3 {
      %get3A_4 = arith.constant 0 : index
      %get3A_5 = arith.constant 0 : index
      %get3A_6 = vector.load %arg4[%get3A_4, %get3A_5] : memref<256x1024xf32, #tpu.memory_space<vmem>>, vector<256x1024xf32>
      %get3A_7 = arith.constant 0 : index
      %get3A_8 = arith.constant 0 : index
      %get3A_9 = arith.constant 0 : index
      %get3A_10 = vector.load %arg5[%get3A_7, %get3A_8, %get3A_9] : memref<1x1024x1024xf32, #tpu.memory_space<vmem>>, vector<1x1024x1024xf32>
      %get3A_11 = vector.shape_cast %get3A_10 : vector<1x1024x1024xf32> to vector<1024x1024xf32>
      %dot_general3A = arith.constant dense<0.000000e+00> : vector<256x1024xf32>
      %dot_general3A_12 = tpu.matmul %get3A_6, %get3A_11, %dot_general3A {dimension_numbers = #tpu.dot_dimension_numbers<[1], [1], [0], [0], [0, 0, 1, 0], [], []>, transpose_lhs_hint = false} : vector<256x1024xf32>, vector<1024x1024xf32>, vector<256x1024xf32> -> vector<256x1024xf32>
      %get3A_13 = arith.constant 0 : index
      %get3A_14 = arith.constant 0 : index
      %get3A_15 = arith.constant 0 : index
      %get3A_16 = vector.load %arg6[%get3A_13, %get3A_14, %get3A_15] : memref<1x1x1024xf32, #tpu.memory_space<vmem>>, vector<1x1x1024xf32>
      %get3A_17 = vector.shape_cast %get3A_16 : vector<1x1x1024xf32> to vector<1x1024xf32>
      %add3A_18 = vector.broadcast %get3A_17 : vector<1x1024xf32> to vector<256x1024xf32>
      %add3A_19 = arith.addf %dot_general3A_12, %add3A_18 : vector<256x1024xf32>
      %mul3A_20 = arith.constant 5.000000e-01 : f32
      %mul3A_21 = vector.broadcast %mul3A_20 : f32 to vector<256x1024xf32>
      %mul3A_22 = arith.mulf %mul3A_21, %add3A_19 : vector<256x1024xf32>
      %mul3A_23 = arith.constant 0.707106769 : f32
      %mul3A_24 = vector.broadcast %mul3A_23 : f32 to vector<256x1024xf32>
      %mul3A_25 = arith.mulf %add3A_19, %mul3A_24 : vector<256x1024xf32>
      %erf3A = math.erf %mul3A_25 : vector<256x1024xf32>
      %add3A_26 = arith.constant 1.000000e+00 : f32
      %add3A_27 = vector.broadcast %add3A_26 : f32 to vector<256x1024xf32>
      %add3A_28 = arith.addf %add3A_27, %erf3A : vector<256x1024xf32>
      %mul3A_29 = arith.mulf %mul3A_22, %add3A_28 : vector<256x1024xf32>
      %get3A_30 = arith.constant 0 : index
      %get3A_31 = arith.constant 0 : index
      %get3A_32 = arith.constant 0 : index
      %get3A_33 = vector.load %arg7[%get3A_30, %get3A_31, %get3A_32] : memref<1x1024x1024xf32, #tpu.memory_space<vmem>>, vector<1x1024x1024xf32>
      %get3A_34 = vector.shape_cast %get3A_33 : vector<1x1024x1024xf32> to vector<1024x1024xf32>
      %dot_general3A_35 = arith.constant dense<0.000000e+00> : vector<256x1024xf32>
      %dot_general3A_36 = tpu.matmul %mul3A_29, %get3A_34, %dot_general3A_35 {dimension_numbers = #tpu.dot_dimension_numbers<[1], [1], [0], [0], [0, 0, 1, 0], [], []>, transpose_lhs_hint = false} : vector<256x1024xf32>, vector<1024x1024xf32>, vector<256x1024xf32> -> vector<256x1024xf32>
      %eq3A_37 = arith.constant 0 : i32
      %eq3A_38 = arith.cmpi eq, %arg2, %eq3A_37 : i32
      %convert_element_type3A_39 = arith.extui %eq3A_38 : i1 to i32
      %cond3A_40 = arith.constant 0 : i32
      %cond3A_41 = arith.cmpi ne, %convert_element_type3A_39, %cond3A_40 : i32
      scf.if %cond3A_41 {
        %get3A_47 = arith.constant 0 : index
        %get3A_48 = arith.constant 0 : index
        %get3A_49 = arith.constant 0 : index
        %get3A_50 = vector.load %arg8[%get3A_47, %get3A_48, %get3A_49] : memref<1x1x1024xf32, #tpu.memory_space<vmem>>, vector<1x1x1024xf32>
        %get3A_51 = vector.shape_cast %get3A_50 : vector<1x1x1024xf32> to vector<1x1024xf32>
        %add3A_52 = vector.broadcast %get3A_51 : vector<1x1024xf32> to vector<256x1024xf32>
        %add3A_53 = arith.addf %dot_general3A_36, %add3A_52 : vector<256x1024xf32>
        %swap3A = arith.constant 0 : index
        %swap3A_54 = arith.constant 0 : index
        %swap3A_55 = vector.load %arg9[%swap3A, %swap3A_54] : memref<256x1024xf32, #tpu.memory_space<vmem>>, vector<256x1024xf32>
        tpu.vector_store %arg9[%swap3A, %swap3A_54], %add3A_53 {strides = array<i32>} : memref<256x1024xf32, #tpu.memory_space<vmem>>, vector<256x1024xf32>,
      } else {
      }
      %eq3A_42 = arith.constant 1 : i32
      %eq3A_43 = arith.cmpi eq, %arg2, %eq3A_42 : i32
      %convert_element_type3A_44 = arith.extui %eq3A_43 : i1 to i32
      %cond3A_45 = arith.constant 0 : i32
      %cond3A_46 = arith.cmpi ne, %convert_element_type3A_44, %cond3A_45 : i32
      scf.if %cond3A_46 {
        %get3A_47 = arith.constant 0 : index
        %get3A_48 = arith.constant 0 : index
        %get3A_49 = vector.load %arg9[%get3A_47, %get3A_48] : memref<256x1024xf32, #tpu.memory_space<vmem>>, vector<256x1024xf32>
        %add3A_50 = arith.addf %get3A_49, %dot_general3A_36 : vector<256x1024xf32>
        %swap3A = arith.constant 0 : index
        %swap3A_51 = arith.constant 0 : index
        %swap3A_52 = vector.load %arg9[%swap3A, %swap3A_51] : memref<256x1024xf32, #tpu.memory_space<vmem>>, vector<256x1024xf32>
        tpu.vector_store %arg9[%swap3A, %swap3A_51], %add3A_50 {strides = array<i32>} : memref<256x1024xf32, #tpu.memory_space<vmem>>, vector<256x1024xf32>,
      } else {
      }
    } else {
    }
    return
  }
  func.func @transform_0(%arg0: i32, %arg1: i32, %arg2: i32, %arg3: memref<64xi32, #tpu.memory_space<smem>>) -> (i32, i32) {
    %mul3A = arith.constant 8 : i32
    %mul3A_0 = arith.muli %arg0, %mul3A : i32
    %add3A = arith.addi %mul3A_0, %arg1 : i32
    %c0_i32 = arith.constant 0 : i32
    %c0_i32_1 = arith.constant 0 : i32
    return %add3A, %c0_i32 : i32, i32
  }
  func.func @transform_1(%arg0: i32, %arg1: i32, %arg2: i32, %arg3: memref<64xi32, #tpu.memory_space<smem>>) -> (i32, i32, i32) {
    %c0_i32 = arith.constant 0 : i32
    %c0_i32_0 = arith.constant 0 : i32
    return %arg0, %arg2, %c0_i32 : i32, i32, i32
  }
  func.func @transform_2(%arg0: i32, %arg1: i32, %arg2: i32, %arg3: memref<64xi32, #tpu.memory_space<smem>>) -> (i32, i32, i32) {
    %c0_i32 = arith.constant 0 : i32
    %c0_i32_0 = arith.constant 0 : i32
    return %arg0, %c0_i32, %arg2 : i32, i32, i32
  }
  func.func @transform_3(%arg0: i32, %arg1: i32, %arg2: i32, %arg3: memref<64xi32, #tpu.memory_space<smem>>) -> (i32, i32, i32) {
    %c0_i32 = arith.constant 0 : i32
    %c0_i32_0 = arith.constant 0 : i32
    return %arg0, %c0_i32, %arg2 : i32, i32, i32
  }
  func.func @transform_4(%arg0: i32, %arg1: i32, %arg2: i32, %arg3: memref<64xi32, #tpu.memory_space<smem>>) -> (i32, i32, i32) {
    %c0_i32 = arith.constant 0 : i32
    %c0_i32_0 = arith.constant 0 : i32
    %c0_i32_1 = arith.constant 0 : i32
    return %arg0, %c0_i32, %c0_i32_0 : i32, i32, i32
  }
  func.func @transform_5(%arg0: i32, %arg1: i32, %arg2: i32, %arg3: memref<64xi32, #tpu.memory_space<smem>>) -> (i32, i32) {
    %mul3A = arith.constant 8 : i32
    %mul3A_0 = arith.muli %arg0, %mul3A : i32
    %add3A = arith.addi %mul3A_0, %arg1 : i32
    %c0_i32 = arith.constant 0 : i32
    %c0_i32_1 = arith.constant 0 : i32
    return %add3A, %c0_i32 : i32, i32
  }
}

module attributes {stable_mosaic.version = 14 : i64} {
  func.func @_add_body(%arg0: i32, %arg1: memref<512x1024xf32, #tpu.memory_space<vmem>>, %arg2: memref<512x1024xf32, #tpu.memory_space<vmem>>, %arg3: memref<512x1xf32, #tpu.memory_space<vmem>>, %arg4: memref<512x1xf32, #tpu.memory_space<vmem>>, %arg5: memref<512x1024xf32, #tpu.memory_space<vmem>>) attributes {dimension_semantics = [#tpu.dimension_semantics<arbitrary>], iteration_bounds = array<i64: 4>, scalar_prefetch = 0 : i64, scratch_operands = 0 : i64, tpu.core_type = #tpu.core_type<tc>, window_params = [{transform_indices = @transform_0, window_bounds = array<i64: 512, 1024>}, {transform_indices = @transform_1, window_bounds = array<i64: 512, 1024>}, {transform_indices = @transform_2, window_bounds = array<i64: 512, 1>}, {transform_indices = @transform_3, window_bounds = array<i64: 512, 1>}, {transform_indices = @transform_4, window_bounds = array<i64: 512, 1024>}]} {
    %get3A = arith.constant 0 : index
    %get3A_0 = arith.constant 0 : index
    %get3A_1 = vector.load %arg1[%get3A, %get3A_0] : memref<512x1024xf32, #tpu.memory_space<vmem>>, vector<512x1024xf32>
    %get3A_2 = arith.constant 0 : index
    %get3A_3 = arith.constant 0 : index
    %get3A_4 = vector.load %arg3[%get3A_2, %get3A_3] : memref<512x1xf32, #tpu.memory_space<vmem>>, vector<512x1xf32>
    %mul3A = vector.broadcast %get3A_4 : vector<512x1xf32> to vector<512x1024xf32>
    %mul3A_5 = arith.mulf %get3A_1, %mul3A : vector<512x1024xf32>
    %get3A_6 = arith.constant 0 : index
    %get3A_7 = arith.constant 0 : index
    %get3A_8 = vector.load %arg2[%get3A_6, %get3A_7] : memref<512x1024xf32, #tpu.memory_space<vmem>>, vector<512x1024xf32>
    %get3A_9 = arith.constant 0 : index
    %get3A_10 = arith.constant 0 : index
    %get3A_11 = vector.load %arg4[%get3A_9, %get3A_10] : memref<512x1xf32, #tpu.memory_space<vmem>>, vector<512x1xf32>
    %mul3A_12 = vector.broadcast %get3A_11 : vector<512x1xf32> to vector<512x1024xf32>
    %mul3A_13 = arith.mulf %get3A_8, %mul3A_12 : vector<512x1024xf32>
    %add3A = arith.addf %mul3A_5, %mul3A_13 : vector<512x1024xf32>
    %swap3A = arith.constant 0 : index
    %swap3A_14 = arith.constant 0 : index
    %swap3A_15 = vector.load %arg5[%swap3A, %swap3A_14] : memref<512x1024xf32, #tpu.memory_space<vmem>>, vector<512x1024xf32>
    tpu.vector_store %arg5[%swap3A, %swap3A_14], %add3A {strides = array<i32>} : memref<512x1024xf32, #tpu.memory_space<vmem>>, vector<512x1024xf32>,
    return
  }
  func.func @transform_0(%arg0: i32) -> (i32, i32) {
    %c0_i32 = arith.constant 0 : i32
    %c0_i32_0 = arith.constant 0 : i32
    return %arg0, %c0_i32 : i32, i32
  }
  func.func @transform_1(%arg0: i32) -> (i32, i32) {
    %add3A = arith.constant 4 : i32
    %add3A_0 = arith.addi %arg0, %add3A : i32
    %c0_i32 = arith.constant 0 : i32
    %c0_i32_1 = arith.constant 0 : i32
    return %add3A_0, %c0_i32 : i32, i32
  }
  func.func @transform_2(%arg0: i32) -> (i32, i32) {
    %c0_i32 = arith.constant 0 : i32
    %c0_i32_0 = arith.constant 0 : i32
    return %arg0, %c0_i32 : i32, i32
  }
  func.func @transform_3(%arg0: i32) -> (i32, i32) {
    %add3A = arith.constant 4 : i32
    %add3A_0 = arith.addi %arg0, %add3A : i32
    %c0_i32 = arith.constant 0 : i32
    %c0_i32_1 = arith.constant 0 : i32
    return %add3A_0, %c0_i32 : i32, i32
  }
  func.func @transform_4(%arg0: i32) -> (i32, i32) {
    %c0_i32 = arith.constant 0 : i32
    %c0_i32_0 = arith.constant 0 : i32
    return %arg0, %c0_i32 : i32, i32
  }
}

</mosaic_0001>

<sc_bundles>
// kernel: _moe.10.cloned.1.call-start
scs
__scs_entry_jumppad:
0x0: {  	(pc) =	sbr.rel $0x88, $3  }
0x1: {  	(tag) =	ssettag $0x0;
	lr =	simm.s32 $0x1  }
0x2: {  	[smem:$0x3F9B] =	sst lr;
	_ =	strace $0xD0000000  }
0x3: {  	_ = 	snop  }
0x4: {  	_ = 	snop  }
0x5: {  	_ = 	snop  }
0x6: {  	_ = 	snop  }
0x7: {  	_ = 	snop  }
__scs_overlays_trampoline_lowered:
0x8: {  	[smem:$0x3FAA] =	sst s0  }
0x9: {  	[smem:$0x3FAB] =	sst s1  }
0xa: {  	[smem:$0x3FAC] =	sst s2  }
0xb: {  	[smem:$0x3FAD] =	sst s3  }
0xc: {  	[smem:$0x3FAE] =	sst s4  }
0xd: {  	[smem:$0x3FAF] =	sst s5  }
0xe: {  	[smem:$0x3FB0] =	sst s6  }
0xf: {  	[smem:$0x3FB1] =	sst s7  }
0x10: {  	[smem:$0x3FB2] =	sst s8  }
0x11: {  	[smem:$0x3FB3] =	sst s9;
	s0 =	simm.s32 @!p0 $0x0  }
0x12: {  	s1 =	sld [smem:$0x3F99];
	s0 =	simm.s32 @p0 $0x1  }
0x13: {  	[smem:$0x3FB4] =	sst s0;
	s0 =	simm.s32 @!p1 $0x0  }
0x14: {  	s2 =	sld [smem:$0x3F98];
	s0 =	simm.s32 @p1 $0x1  }
0x15: {  	[smem:$0x3FB5] =	sst s0;
	s0 =	simm.s32 @!p2 $0x0  }
0x16: {  	s3 =	sld [smem:$0x3FDB];
	s0 =	simm.s32 @p2 $0x1  }
0x17: {  	s4 =	simm.s32 $0x1BF5;
	[smem:$0x3FB7] =	sst s0  }
0x18: {  	s0 =	sld [smem:$0x3F9A];
	_ =	swait.ge [sflag:s4], $0x0  }
0x19: {  	s7 =	sld [smem:$0x3F9B]  }
0x1a: {  	s8 =	sadd.s32 $0xFFFFE003, lr  }
0x1b: {  	s9 =	sadd.s32 $0xFFFFFEF7, lr;
	s5 =	simm.s32 $0xFFFFFFFF;
	p2 =	slt.u32 s8, $0xFFFFF086  }
0x1c: {  	p1 =	slt.u32 s9, $0xF7A;
	s5 =	simm.s32 @!p2 $0x0  }
0x1d: {  	s5 =	simm.s32 @p1 $0x1;
	p0 =	seq.s32 s7, s2  }
0x1e: {  	s7 =	smul.u32 @!p0 $0xF7A, s2;
	p2 =	seq.s32 @!p0 s5, $0x0  }
0x1f: {  	s9 =	smul.u32 $0xF7A, s1;
	s8 =	simm.s32 @!p0 $0x1BF5;
	p2 =	por !p2, p0  }
0x20: {  	[sflag:s8] =	ssyncset.s32 @!p0 $0xFFFFF086;
	s6 =	sadd.s32 @!p0 s3, s7;
	s7 =	simm.s32 @!p0 $0x108  }
0x21: {  	s3 =	sadd.s32 s3, s9;
	s6 =	sadd.s32 @!p0 $0x88, s6;
	s7 =	simm.s32 @p2 $0x1082  }
0x22: {  	[simem:s7], [sflag:s8] =	dma.local @!p0 [hbm:s6], $0xF7A  }
0x23: {  	s9 =	sor.u32 $0xD0000000, s2;
	s6 =	simm.s32 $0x108;
	_ =	swait.ge @!p0 [sflag:s8], $0x0  }
0x24: {  	s3 =	sadd.s32 $0x88, s3;
	s6 =	simm.s32 @!p1 $0x1082;
	[sflag:s4] =	ssyncset.s32 $0xFFFFF086  }
0x25: {  	[simem:s6], [sflag:s4] =	dma.local [hbm:s3], $0xF7A  }
0x26: {  	[smem:$0x3F9B] =	sst s1;
	(tag) =	ssettag s2;
	_ =	strace s9  }
0x27: {  	s1 =	sld [smem:$0x3FAB]  }
0x28: {  	s2 =	sld [smem:$0x3FAC]  }
0x29: {  	s4 =	sld [smem:$0x3FAE]  }
0x2a: {  	p0 =	seq.s32 s5, $0x0;
	s5 =	sld [smem:$0x3FAF]  }
0x2b: {  	s6 =	sld [smem:$0x3FB0]  }
0x2c: {  	s7 =	sld [smem:$0x3FB1]  }
0x2d: {  	s3 =	simm.s32 $0x108;
	s8 =	sld [smem:$0x3FB2]  }
0x2e: {  	s3 =	simm.s32 @!p0 $0x1082;
	s9 =	sld [smem:$0x3FB3]  }
0x2f: {  	lr =	sadd.s32 s0, s3;
	s0 =	sld [smem:$0x3FAA]  }
0x30: {  	s3 =	sld [smem:$0x3FAD]  }
0x31: {  	[smem:$0x3FB6] =	sst s10  }
0x32: {  	s10 =	sld [smem:$0x3FB4];
	_ =	sdelay $0x3  }
0x33: {  	p0 =	seq.s32 s10, $0x1;
	s10 =	sld [smem:$0x3FB6];
	_ =	sdelay $0x3  }
0x34: {  	[smem:$0x3FB6] =	sst s10  }
0x35: {  	s10 =	sld [smem:$0x3FB5];
	_ =	sdelay $0x3  }
0x36: {  	p1 =	seq.s32 s10, $0x1;
	s10 =	sld [smem:$0x3FB6];
	_ =	sdelay $0x3  }
0x37: {  	[smem:$0x3FB6] =	sst s10  }
0x38: {  	s10 =	sld [smem:$0x3FB7]  }
0x39: {  	_ = 	snop;
	(pc) =	sbr.ind lr, $3  }
0x3a: {  	_ = 	snop  }
0x3b: {  	_ = 	snop  }
0x3c: {  	p2 =	seq.s32 s10, $0x1;
	s10 =	sld [smem:$0x3FB6]  }
0x3d: {  	_ =	shalt  }
0x3e: {  	_ =	shalt  }
0x3f: {  	_ =	shalt  }
0x40: {  	_ =	shalt  }
0x41: {  	_ =	shalt  }
0x42: {  	_ =	shalt  }
0x43: {  	_ =	shalt  }
0x44: {  	_ =	shalt  }
0x45: {  	_ =	shalt  }
0x46: {  	_ =	shalt  }
0x47: {  	_ =	shalt  }
0x48: {  	_ =	shalt  }
0x49: {  	_ =	shalt  }
0x4a: {  	_ =	shalt  }
0x4b: {  	_ =	shalt  }
0x4c: {  	_ =	shalt  }
0x4d: {  	_ =	shalt  }
0x4e: {  	_ =	shalt  }
0x4f: {  	_ =	shalt  }
0x50: {  	_ =	shalt  }
0x51: {  	_ =	shalt  }
0x52: {  	_ =	shalt  }
0x53: {  	_ =	shalt  }
0x54: {  	_ =	shalt  }
0x55: {  	_ =	shalt  }
0x56: {  	_ =	shalt  }
0x57: {  	_ =	shalt  }
0x58: {  	_ =	shalt  }
0x59: {  	_ =	shalt  }
0x5a: {  	_ =	shalt  }
0x5b: {  	_ =	shalt  }
0x5c: {  	_ =	shalt  }
0x5d: {  	_ =	shalt  }
0x5e: {  	_ =	shalt  }
0x5f: {  	_ =	shalt  }
0x60: {  	_ =	shalt  }
0x61: {  	_ =	shalt  }
0x62: {  	_ =	shalt  }
0x63: {  	_ =	shalt  }
0x64: {  	_ =	shalt  }
0x65: {  	_ =	shalt  }
0x66: {  	_ =	shalt  }
0x67: {  	_ =	shalt  }
0x68: {  	_ =	shalt  }
0x69: {  	_ =	shalt  }
0x6a: {  	_ =	shalt  }
0x6b: {  	_ =	shalt  }
0x6c: {  	_ =	shalt  }
0x6d: {  	_ =	shalt  }
0x6e: {  	_ =	shalt  }
0x6f: {  	_ =	shalt  }
0x70: {  	_ =	shalt  }
0x71: {  	_ =	shalt  }
0x72: {  	_ =	shalt  }
0x73: {  	_ =	shalt  }
0x74: {  	_ =	shalt  }
0x75: {  	_ =	shalt  }
0x76: {  	_ =	shalt  }
0x77: {  	_ =	shalt  }
0x78: {  	_ =	shalt  }
0x79: {  	_ =	shalt  }
0x7a: {  	_ =	shalt  }
0x7b: {  	_ =	shalt  }
0x7c: {  	_ =	shalt  }
0x7d: {  	_ =	shalt  }
0x7e: {  	_ =	shalt  }
0x7f: {  	_ =	shalt  }
0x80: {  	_ =	shalt  }
0x81: {  	_ =	shalt  }
0x82: {  	_ =	shalt  }
0x83: {  	_ =	shalt  }
0x84: {  	_ =	shalt  }
0x85: {  	_ =	shalt  }
0x86: {  	_ =	shalt  }
0x87: {  	_ =	shalt  }
.Lfunc_end0:
.L_simem_size_0:
called_computation.1_lowered:
.L_overlay_start_0:
0x88: {  	s2 =	sld [smem:$0x3FD9]  }
0x89: {  	s3 =	sld [smem:$0x3FFE];
	_ =	sdelay $0x1  }
0x8a: {  	s1 =	srdreg.scid  }
0x8b: {  	s0 =	sand.u32 $0x1, s1  }
0x8c: {  	s16 =	sshll.u32 s0, $0xA;
	s2 =	sadd.s32 s3, s2  }
0x8d: {  	s2 =	sadd.s32 s2, s16  }
0x8e: {  	[smem:$0x3FC2] =	sst s2  }
0x8f: {  	_ = 	snop  }
0x90: {  	(tm) =	ssettm $0x1  }
0x91: {  	s17 =	sld [smem:$0x3FFB];
	_ =	sdelay $0x3  }
0x92: {  	_ =	strace s17  }
0x93: {  	s2 =	sld [smem:$0x3FFC];
	_ =	sdelay $0x3  }
0x94: {  	_ =	strace s2  }
0x95: {  	s2 =	sld [smem:$0x3FFD];
	_ =	sdelay $0x3  }
0x96: {  	_ =	strace s2  }
0x97: {  	_ =	strace $0x8FFFFFFF  }
0x98: {  	s18 =	sld [smem:$0x3FDB];
	_ =	sdelay $0x1  }
0x99: {  	s19 =	simm.s32 $_scs_section_size  }
0x9a: {  	s4 =	simm.s32 $_size__tile_overlayer_lowered;
	s5 =	simm.s32 $_tile_overlayer_lowered  }
0x9b: {  	s22 =	simm.s32 $0x1BFF;
	s21 =	sshll.u32 s5, $0x1;
	s2 =	sadd.s32 s19, s18  }
0x9c: {  	s6 =	simm.s32 $0x0;
	s20 =	sshll.u32 s4, $0x1;
	s4 =	sadd.s32 s21, s2  }
0x9d: {  	[timem:s6], [sflag:s22] =	dma.local [hbm:s4], s20  }
0x9e: {  	_ =	swait.ge [sflag:s22], s20  }
0x9f: {  	s3 =	ssub.s32 $0x0, s20;
	[sflag:s22] =	ssyncset.done $0x0  }
0xa0: {  	[sflag:s22] =	ssyncadd.s32 s3;
	_ =	sdelay $0x1  }
0xa1: {  	s23 =	simm.s32 $0x1B8B  }
0xa2: {  	_ =	swait.ge [sflag:s23], $0x1  }
0xa3: {  	[sflag:s23] =	ssyncset.done $0x0  }
0xa4: {  	s25 =	simm.s32 $0x1B8E;
	s24 =	sld [smem:$0x3FFE];
	[sflag:s23] =	ssyncadd.s32 $0xFFFFFFFF  }
0xa5: {  	s26 =	simm.s32 $execute0_lowered;
	[smem:$0x3FD2] =	sst s25  }
0xa6: {  	s4 =	sshll.u32 s26, $0x1;
	_ =	strace $0x80000049;
	[dreg:$0x1] =	wrdreg $0xFFFFFFFF  }
0xa7: {  	s28 =	simm.s32 $_size_execute0_lowered;
	s2 =	sadd.s32 s2, s4;
	[dreg:$0x0] =	wrdreg $0x0  }
0xa8: {  	s4 =	sshll.u32 s28, $0x1;
	[dreg:$0x2] =	wrdreg s2  }
0xa9: {  	[dreg:$0x3] =	wrdreg s4  }
0xaa: {  	[dreg:$0x4] =	wrdreg $0xC0  }
0xab: {  	_ =	task [dreg:s6], $0x5FFFF  }
0xac: {  	[dreg:$0x1] =	wrdreg $0xFFFFFFFF  }
0xad: {  	[dreg:$0x0] =	wrdreg $0x60  }
0xae: {  	[dreg:$0x2] =	wrdreg s24  }
0xaf: {  	[dreg:$0x3] =	wrdreg $0x9  }
0xb0: {  	_ =	task.clear_ibuf [dreg:s6], $0x4FFFF;
	_ =	strace $0x90000049  }
0xb1: {  	s29 =	simm.s32 $0x9;
	_ =	strace $0x8000004B  }
0xb2: {  	_ =	swait.ge [sflag:s29], $0x1  }
0xb3: {  	[sflag:s29] =	ssyncadd.s32 $0xFFFFFFFF  }
0xb4: {  	_ =	strace $0x9000004B  }
0xb5: {  	_ =	sfence  }
0xb6: {  	s30 =	sld [smem:$0x0];
	_ =	sdelay $0x2  }
0xb7: {  	s31 =	sshll.u32 s1, $0xD;
	s1 =	sshrl.u32 s1, $0x2  }
0xb8: {  	s3 =	sand.u32 $0x4000, s31;
	s1 =	sadd.s32 s1, s30  }
0xb9: {  	s0 =	sor.u32 s3, s0;
	s1 =	sshll.u32 s1, $0x11  }
0xba: {  	s0 =	sor.u32 s1, s0  }
0xbb: {  	s0 =	sadd.s32 $0x8F2B, s0  }
0xbc: {  	[sflag:s0] =	ssyncadd.remote.s32 $0x1  }
0xbd: {  	_ =	sfence.sel $0xFFFF  }
0xbe: {  	[dreg:$0x0] =	wrdreg $0xFFFFFFFF;
	(pc) =	sbr.abs _section_cstart, $3  }
0xbf: {  	[dreg:$0x1] =	wrdreg $0xFFFFFFFF  }
0xc0: {  	_ =	task.clear_ibuf [dreg:s6], $0x2FFFF;
	_ =	strace $0x9FFFFFFF  }
0xc1: {  	(tm) =	ssettm $0x7FFFFFFF  }
tec
execute0_lowered:
.L_overlay_start_1:
0x0: {  	(tag) =	ssettag $0x1  }
0x1: {  	s0 =	srdreg.scid  }
0x2: {  	s2 =	stileid.u32;
	s1 =	rddreg [dreg:$0x0];
	s18 =	simm.s32 $0x1  }
0x3: {  	s20 =	simm.s32 $0x880;
	s21 =	simm.s32 $0x1080;
	s22 =	simm.s32 $0x1880  }
0x4: {  	s23 =	simm.s32 $0x2080;
	s28 =	simm.s32 $0x4080;
	s29 =	simm.s32 $0x4880  }
0x5: {  	s30 =	simm.s32 $0x5080;
	s31 =	simm.s32 $0x5880;
	s10 =	simm.s32 $0x7080  }
0x6: {  	s11 =	simm.s32 $0x7880;
	s12 =	simm.s32 $0x8080;
	s13 =	simm.s32 $0x8880  }
0x7: {  	s14 =	simm.s32 $0x9080;
	s15 =	simm.s32 $0x9880;
	s16 =	simm.s32 $0xA080  }
0x8: {  	s0 =	sand.u32 $0x1, s0;
	s3 =	sshll.u32 s2, $0x7;
	s2 =	simm.s32 $0x0  }
0x9: {  	s17 =	simm.s32 $0xA880;
	s4 =	sshll.u32 s0, $0x6;
	[smem:$0x7FF] =	sst s2  }
0xa: {  	s0 =	ssub.s32 $0x2, s0;
	s4 =	sor.u32 s4, s3;
	_ =	strace $0x8000004A  }
0xb: {  	s5 =	sshrl.u32 s0, $0x1;
	s3 =	sshrl.u32 s4, $0x3;
	s4 =	sshll.u32 s4, $0x7  }
0xc: {  	s0 =	ssub.s32 s0, s5;
	s5 =	sadd.s32 $0x209600, s1;
	s6 =	sadd.s32 s3, s1  }
0xd: {  	s3 =	sadd.s32 $0x209400, s1;
	s7 =	sadd.s32 s4, s1;
	s24 =	sadd.s32 $0x9000, s6  }
0xe: {  	s4 =	sadd.s32 $0x209500, s1;
	s8 =	sadd.s32 $0x9400, s7;
	[dreg:$0x2] =	wrdreg s24  }
0xf: {  	s25 =	sadd.s32 $0x9200, s6;
	s6 =	sadd.s32 $0x209700, s1;
	[dreg:$0x3] =	wrdreg s8  }
0x10: {  	v2 =	vlaneseq.u32;
	s26 =	sadd.s32 $0x49400, s7;
	s7 =	smax.u32 s0, $0x1;
	[dreg:$0x4] =	wrdreg s25  }
0x11: {  	vm0 =	vmmov $0xffff;
	v1 =	vshrl.u32 v2, $0x3;
	s0 =	simm.s32 $0x80;
	[dreg:$0x5] =	wrdreg s26;
	s8 =	simm.s32 $0x2  }
0x12: {  	v0 =	vand.u32 $0x7, v2;
	v2 =	vor.u32 $0x8, v2;
	v1 =	vmul.u32 $0x8, v1;
	s24 =	simm.s32 $0x2880;
	s25 =	simm.s32 $0x3080;
	s26 =	simm.s32 $0x3880  }
.LBB2_1:
0x13: {  	s19 =	rddreg [dreg:$0x2]  }
0x14: {  	[tilespmem:s2], [sflag:$0x2] =	stream.linear.gather [hbm4b:s19+s2], $0x40, $0x38;
	[tilespmem:$0x10080] =	vst v63  }
0x15: {  	_ =	swait.ge [sflag:s8], $0x40  }
0x16: {  	[sflag:s8] =	ssyncset.done $0x0  }
0x17: {  	[sflag:s8] =	ssyncadd.s32 $0xFFFFFFC0  }
0x18: {  	v3 =	vld [tilespmem:$0x0];
	_ =	sdelay $0x4  }
0x19: {  	v4 =	vshll.u32 v3, $0x3  }
0x1a: {  	v3 =	vand.u32 $0x7, v3;
	v4 =	vand.u32 $0xFFFFFFC0, v4  }
0x1b: {  	v3 =	vor.u32 v3, v4  }
0x1c: {  	v4 =	vperm.xlane v3, v0;
	_ =	sdelay $0x1  }
0x1d: {  	v4 =	vadd.s32 v1, v4;
	_ =	sdelay $0x4  }
0x1e: {  	[tilespmem:s0], [sflag:$0x1] =	stream.indirect_vreg.gather [hbm4b:s3+s2], $0x80, v4, vm0, $0xb8;
	[tilespmem:$0x10080] =	vst v63  }
0x1f: {  	v3 =	vperm.xlane v3, v2  }
0x20: {  	[tilespmem:s20], [sflag:$0x1] =	stream.indirect_vreg.gather [hbm4b:s4+s2], $0x80, v4, vm0, $0xb8;
	[tilespmem:$0x10080] =	vst v63  }
0x21: {  	v3 =	vadd.s32 v1, v3  }
0x22: {  	[tilespmem:s21], [sflag:$0x1] =	stream.indirect_vreg.gather [hbm4b:s5+s2], $0x80, v4, vm0, $0xb8;
	[tilespmem:$0x10080] =	vst v63  }
0x23: {  	_ = 	snop  }
0x24: {  	[tilespmem:s22], [sflag:$0x1] =	stream.indirect_vreg.gather [hbm4b:s6+s2], $0x80, v4, vm0, $0xb8;
	[tilespmem:$0x10080] =	vst v63  }
0x25: {  	_ = 	snop  }
0x26: {  	[tilespmem:s23], [sflag:$0x1] =	stream.indirect_vreg.gather [hbm4b:s3+s2], $0x80, v3, vm0, $0xb8;
	[tilespmem:$0x10080] =	vst v63  }
0x27: {  	_ = 	snop  }
0x28: {  	[tilespmem:s24], [sflag:$0x1] =	stream.indirect_vreg.gather [hbm4b:s4+s2], $0x80, v3, vm0, $0xb8;
	[tilespmem:$0x10080] =	vst v63  }
0x29: {  	_ = 	snop  }
0x2a: {  	[tilespmem:s25], [sflag:$0x1] =	stream.indirect_vreg.gather [hbm4b:s5+s2], $0x80, v3, vm0, $0xb8;
	[tilespmem:$0x10080] =	vst v63  }
0x2b: {  	_ = 	snop  }
0x2c: {  	[tilespmem:s26], [sflag:$0x1] =	stream.indirect_vreg.gather [hbm4b:s6+s2], $0x80, v3, vm0, $0xb8;
	[tilespmem:$0x10080] =	vst v63  }
0x2d: {  	v3 =	vld [tilespmem:$0x10];
	_ =	sdelay $0x4  }
0x2e: {  	v57 =	vshll.u32 v3, $0x3  }
0x2f: {  	v3 =	vand.u32 $0x7, v3;
	v4 =	vand.u32 $0xFFFFFFC0, v57  }
0x30: {  	v3 =	vor.u32 v3, v4  }
0x31: {  	v4 =	vperm.xlane v3, v0;
	_ =	sdelay $0x1  }
0x32: {  	v4 =	vadd.s32 v1, v4;
	_ =	sdelay $0x4  }
0x33: {  	[tilespmem:s28], [sflag:$0x1] =	stream.indirect_vreg.gather [hbm4b:s3+s2], $0x80, v4, vm0, $0xb8;
	[tilespmem:$0x10080] =	vst v63  }
0x34: {  	v3 =	vperm.xlane v3, v2  }
0x35: {  	[tilespmem:s29], [sflag:$0x1] =	stream.indirect_vreg.gather [hbm4b:s4+s2], $0x80, v4, vm0, $0xb8;
	[tilespmem:$0x10080] =	vst v63  }
0x36: {  	v3 =	vadd.s32 v1, v3  }
0x37: {  	[tilespmem:s30], [sflag:$0x1] =	stream.indirect_vreg.gather [hbm4b:s5+s2], $0x80, v4, vm0, $0xb8;
	[tilespmem:$0x10080] =	vst v63  }
0x38: {  	_ = 	snop  }
0x39: {  	[tilespmem:s31], [sflag:$0x1] =	stream.indirect_vreg.gather [hbm4b:s6+s2], $0x80, v4, vm0, $0xb8;
	[tilespmem:$0x10080] =	vst v63  }
0x3a: {  	s1 =	simm.s32 $0x6080  }
0x3b: {  	[tilespmem:s1], [sflag:$0x1] =	stream.indirect_vreg.gather [hbm4b:s3+s2], $0x80, v3, vm0, $0xb8;
	[tilespmem:$0x10080] =	vst v63  }
0x3c: {  	s9 =	simm.s32 $0x6880  }
0x3d: {  	[tilespmem:s9], [sflag:$0x1] =	stream.indirect_vreg.gather [hbm4b:s4+s2], $0x80, v3, vm0, $0xb8;
	[tilespmem:$0x10080] =	vst v63  }
0x3e: {  	_ = 	snop  }
0x3f: {  	[tilespmem:s10], [sflag:$0x1] =	stream.indirect_vreg.gather [hbm4b:s5+s2], $0x80, v3, vm0, $0xb8;
	[tilespmem:$0x10080] =	vst v63  }
0x40: {  	_ = 	snop  }
0x41: {  	[tilespmem:s11], [sflag:$0x1] =	stream.indirect_vreg.gather [hbm4b:s6+s2], $0x80, v3, vm0, $0xb8;
	[tilespmem:$0x10080] =	vst v63  }
0x42: {  	v3 =	vld [tilespmem:$0x20];
	_ =	sdelay $0x4  }
0x43: {  	v58 =	vshll.u32 v3, $0x3  }
0x44: {  	v3 =	vand.u32 $0x7, v3;
	v4 =	vand.u32 $0xFFFFFFC0, v58  }
0x45: {  	v3 =	vor.u32 v3, v4  }
0x46: {  	v4 =	vperm.xlane v3, v0;
	_ =	sdelay $0x1  }
0x47: {  	v4 =	vadd.s32 v1, v4;
	_ =	sdelay $0x4  }
0x48: {  	[tilespmem:s12], [sflag:$0x1] =	stream.indirect_vreg.gather [hbm4b:s3+s2], $0x80, v4, vm0, $0xb8;
	[tilespmem:$0x10080] =	vst v63  }
0x49: {  	v3 =	vperm.xlane v3, v2  }
0x4a: {  	[tilespmem:s13], [sflag:$0x1] =	stream.indirect_vreg.gather [hbm4b:s4+s2], $0x80, v4, vm0, $0xb8;
	[tilespmem:$0x10080] =	vst v63  }
0x4b: {  	v3 =	vadd.s32 v1, v3  }
0x4c: {  	[tilespmem:s14], [sflag:$0x1] =	stream.indirect_vreg.gather [hbm4b:s5+s2], $0x80, v4, vm0, $0xb8;
	[tilespmem:$0x10080] =	vst v63  }
0x4d: {  	_ = 	snop  }
0x4e: {  	[tilespmem:s15], [sflag:$0x1] =	stream.indirect_vreg.gather [hbm4b:s6+s2], $0x80, v4, vm0, $0xb8;
	[tilespmem:$0x10080] =	vst v63  }
0x4f: {  	_ = 	snop  }
0x50: {  	[tilespmem:s16], [sflag:$0x1] =	stream.indirect_vreg.gather [hbm4b:s3+s2], $0x80, v3, vm0, $0xb8;
	[tilespmem:$0x10080] =	vst v63  }
0x51: {  	_ = 	snop  }
0x52: {  	[tilespmem:s17], [sflag:$0x1] =	stream.indirect_vreg.gather [hbm4b:s4+s2], $0x80, v3, vm0, $0xb8;
	[tilespmem:$0x10080] =	vst v63  }
0x53: {  	s9 =	simm.s32 $0xB080  }
0x54: {  	[tilespmem:s9], [sflag:$0x1] =	stream.indirect_vreg.gather [hbm4b:s5+s2], $0x80, v3, vm0, $0xb8;
	[tilespmem:$0x10080] =	vst v63  }
0x55: {  	s19 =	simm.s32 $0xB880  }
0x56: {  	[tilespmem:s19], [sflag:$0x1] =	stream.indirect_vreg.gather [hbm4b:s6+s2], $0x80, v3, vm0, $0xb8;
	[tilespmem:$0x10080] =	vst v63  }
0x57: {  	v3 =	vld [tilespmem:$0x30];
	_ =	sdelay $0x4  }
0x58: {  	v59 =	vshll.u32 v3, $0x3  }
0x59: {  	v3 =	vand.u32 $0x7, v3;
	v4 =	vand.u32 $0xFFFFFFC0, v59  }
0x5a: {  	v3 =	vor.u32 v3, v4  }
0x5b: {  	v4 =	vperm.xlane v3, v0;
	_ =	sdelay $0x1  }
0x5c: {  	v4 =	vadd.s32 v1, v4;
	_ =	sdelay $0x3  }
0x5d: {  	s19 =	simm.s32 $0xC080  }
0x5e: {  	[tilespmem:s19], [sflag:$0x1] =	stream.indirect_vreg.gather [hbm4b:s3+s2], $0x80, v4, vm0, $0xb8;
	[tilespmem:$0x10080] =	vst v63  }
0x5f: {  	v3 =	vperm.xlane v3, v2;
	s19 =	simm.s32 $0xC880  }
0x60: {  	[tilespmem:s19], [sflag:$0x1] =	stream.indirect_vreg.gather [hbm4b:s4+s2], $0x80, v4, vm0, $0xb8;
	[tilespmem:$0x10080] =	vst v63  }
0x61: {  	v3 =	vadd.s32 v1, v3;
	s19 =	simm.s32 $0xD080  }
0x62: {  	[tilespmem:s19], [sflag:$0x1] =	stream.indirect_vreg.gather [hbm4b:s5+s2], $0x80, v4, vm0, $0xb8;
	[tilespmem:$0x10080] =	vst v63  }
0x63: {  	s19 =	simm.s32 $0xD880  }
0x64: {  	[tilespmem:s19], [sflag:$0x1] =	stream.indirect_vreg.gather [hbm4b:s6+s2], $0x80, v4, vm0, $0xb8;
	[tilespmem:$0x10080] =	vst v63  }
0x65: {  	s19 =	simm.s32 $0xE080  }
0x66: {  	[tilespmem:s19], [sflag:$0x1] =	stream.indirect_vreg.gather [hbm4b:s3+s2], $0x80, v3, vm0, $0xb8;
	[tilespmem:$0x10080] =	vst v63  }
0x67: {  	s19 =	simm.s32 $0xE880  }
0x68: {  	[tilespmem:s19], [sflag:$0x1] =	stream.indirect_vreg.gather [hbm4b:s4+s2], $0x80, v3, vm0, $0xb8;
	[tilespmem:$0x10080] =	vst v63  }
0x69: {  	s19 =	simm.s32 $0xF080  }
0x6a: {  	[tilespmem:s19], [sflag:$0x1] =	stream.indirect_vreg.gather [hbm4b:s5+s2], $0x80, v3, vm0, $0xb8;
	[tilespmem:$0x10080] =	vst v63  }
0x6b: {  	s19 =	simm.s32 $0xF880  }
0x6c: {  	[tilespmem:s19], [sflag:$0x1] =	stream.indirect_vreg.gather [hbm4b:s6+s2], $0x80, v3, vm0, $0xb8;
	[tilespmem:$0x10080] =	vst v63  }
0x6d: {  	_ =	swait.ge [sflag:s18], $0x10000  }
0x6e: {  	[sflag:s18] =	ssyncset.done $0x0  }
0x6f: {  	s19 =	rddreg [dreg:$0x3];
	[sflag:s18] =	ssyncadd.s32 $0xFFFF0000  }
0x70: {  	[hbm4b:s19+s2] =	stream.linear.scatter [tilespmem:s0], [sflag:$0x2], $0x10000, $0x38;
	[tilespmem:$0x10080] =	vst v63  }
0x71: {  	_ =	swait.ge [sflag:s8], $0x10000  }
0x72: {  	[sflag:s8] =	ssyncset.done $0x0  }
0x73: {  	s19 =	rddreg [dreg:$0x4];
	[sflag:s8] =	ssyncadd.s32 $0xFFFF0000  }
0x74: {  	[tilespmem:s2], [sflag:$0x2] =	stream.linear.gather [hbm4b:s19+s2], $0x40, $0x38;
	[tilespmem:$0x10080] =	vst v63  }
0x75: {  	_ =	swait.ge [sflag:s8], $0x40  }
0x76: {  	[sflag:s8] =	ssyncset.done $0x0  }
0x77: {  	[sflag:s8] =	ssyncadd.s32 $0xFFFFFFC0  }
0x78: {  	v3 =	vld [tilespmem:$0x0];
	_ =	sdelay $0x4  }
0x79: {  	v60 =	vshll.u32 v3, $0x3  }
0x7a: {  	v3 =	vand.u32 $0x7, v3;
	v4 =	vand.u32 $0xFFFFFFC0, v60  }
0x7b: {  	v3 =	vor.u32 v3, v4  }
0x7c: {  	v4 =	vperm.xlane v3, v0;
	_ =	sdelay $0x1  }
0x7d: {  	v4 =	vadd.s32 v1, v4;
	_ =	sdelay $0x4  }
0x7e: {  	[tilespmem:s0], [sflag:$0x1] =	stream.indirect_vreg.gather [hbm4b:s3+s2], $0x80, v4, vm0, $0xb8;
	[tilespmem:$0x10080] =	vst v63  }
0x7f: {  	v3 =	vperm.xlane v3, v2  }
0x80: {  	[tilespmem:s20], [sflag:$0x1] =	stream.indirect_vreg.gather [hbm4b:s4+s2], $0x80, v4, vm0, $0xb8;
	[tilespmem:$0x10080] =	vst v63  }
0x81: {  	v3 =	vadd.s32 v1, v3  }
0x82: {  	[tilespmem:s21], [sflag:$0x1] =	stream.indirect_vreg.gather [hbm4b:s5+s2], $0x80, v4, vm0, $0xb8;
	[tilespmem:$0x10080] =	vst v63  }
0x83: {  	_ = 	snop  }
0x84: {  	[tilespmem:s22], [sflag:$0x1] =	stream.indirect_vreg.gather [hbm4b:s6+s2], $0x80, v4, vm0, $0xb8;
	[tilespmem:$0x10080] =	vst v63  }
0x85: {  	_ = 	snop  }
0x86: {  	[tilespmem:s23], [sflag:$0x1] =	stream.indirect_vreg.gather [hbm4b:s3+s2], $0x80, v3, vm0, $0xb8;
	[tilespmem:$0x10080] =	vst v63  }
0x87: {  	_ = 	snop  }
0x88: {  	[tilespmem:s24], [sflag:$0x1] =	stream.indirect_vreg.gather [hbm4b:s4+s2], $0x80, v3, vm0, $0xb8;
	[tilespmem:$0x10080] =	vst v63  }
0x89: {  	_ = 	snop  }
0x8a: {  	[tilespmem:s25], [sflag:$0x1] =	stream.indirect_vreg.gather [hbm4b:s5+s2], $0x80, v3, vm0, $0xb8;
	[tilespmem:$0x10080] =	vst v63  }
0x8b: {  	_ = 	snop  }
0x8c: {  	[tilespmem:s26], [sflag:$0x1] =	stream.indirect_vreg.gather [hbm4b:s6+s2], $0x80, v3, vm0, $0xb8;
	[tilespmem:$0x10080] =	vst v63  }
0x8d: {  	v3 =	vld [tilespmem:$0x10];
	_ =	sdelay $0x4  }
0x8e: {  	v61 =	vshll.u32 v3, $0x3  }
0x8f: {  	v3 =	vand.u32 $0x7, v3;
	v4 =	vand.u32 $0xFFFFFFC0, v61  }
0x90: {  	v3 =	vor.u32 v3, v4  }
0x91: {  	v4 =	vperm.xlane v3, v0;
	_ =	sdelay $0x1  }
0x92: {  	v4 =	vadd.s32 v1, v4;
	_ =	sdelay $0x4  }
0x93: {  	[tilespmem:s28], [sflag:$0x1] =	stream.indirect_vreg.gather [hbm4b:s3+s2], $0x80, v4, vm0, $0xb8;
	[tilespmem:$0x10080] =	vst v63  }
0x94: {  	v3 =	vperm.xlane v3, v2  }
0x95: {  	[tilespmem:s29], [sflag:$0x1] =	stream.indirect_vreg.gather [hbm4b:s4+s2], $0x80, v4, vm0, $0xb8;
	[tilespmem:$0x10080] =	vst v63  }
0x96: {  	v3 =	vadd.s32 v1, v3  }
0x97: {  	[tilespmem:s30], [sflag:$0x1] =	stream.indirect_vreg.gather [hbm4b:s5+s2], $0x80, v4, vm0, $0xb8;
	[tilespmem:$0x10080] =	vst v63  }
0x98: {  	_ = 	snop  }
0x99: {  	[tilespmem:s31], [sflag:$0x1] =	stream.indirect_vreg.gather [hbm4b:s6+s2], $0x80, v4, vm0, $0xb8;
	[tilespmem:$0x10080] =	vst v63  }
0x9a: {  	_ = 	snop  }
0x9b: {  	[tilespmem:s1], [sflag:$0x1] =	stream.indirect_vreg.gather [hbm4b:s3+s2], $0x80, v3, vm0, $0xb8;
	[tilespmem:$0x10080] =	vst v63  }
0x9c: {  	s19 =	simm.s32 $0x6880  }
0x9d: {  	[tilespmem:s19], [sflag:$0x1] =	stream.indirect_vreg.gather [hbm4b:s4+s2], $0x80, v3, vm0, $0xb8;
	[tilespmem:$0x10080] =	vst v63  }
0x9e: {  	_ = 	snop  }
0x9f: {  	[tilespmem:s10], [sflag:$0x1] =	stream.indirect_vreg.gather [hbm4b:s5+s2], $0x80, v3, vm0, $0xb8;
	[tilespmem:$0x10080] =	vst v63  }
0xa0: {  	_ = 	snop  }
0xa1: {  	[tilespmem:s11], [sflag:$0x1] =	stream.indirect_vreg.gather [hbm4b:s6+s2], $0x80, v3, vm0, $0xb8;
	[tilespmem:$0x10080] =	vst v63  }
0xa2: {  	v3 =	vld [tilespmem:$0x20];
	_ =	sdelay $0x4  }
0xa3: {  	v62 =	vshll.u32 v3, $0x3  }
0xa4: {  	v3 =	vand.u32 $0x7, v3;
	v4 =	vand.u32 $0xFFFFFFC0, v62  }
0xa5: {  	v3 =	vor.u32 v3, v4  }
0xa6: {  	v4 =	vperm.xlane v3, v0;
	_ =	sdelay $0x1  }
0xa7: {  	v4 =	vadd.s32 v1, v4;
	_ =	sdelay $0x4  }
0xa8: {  	[tilespmem:s12], [sflag:$0x1] =	stream.indirect_vreg.gather [hbm4b:s3+s2], $0x80, v4, vm0, $0xb8;
	[tilespmem:$0x10080] =	vst v63  }
0xa9: {  	v3 =	vperm.xlane v3, v2  }
0xaa: {  	[tilespmem:s13], [sflag:$0x1] =	stream.indirect_vreg.gather [hbm4b:s4+s2], $0x80, v4, vm0, $0xb8;
	[tilespmem:$0x10080] =	vst v63  }
0xab: {  	v3 =	vadd.s32 v1, v3  }
0xac: {  	[tilespmem:s14], [sflag:$0x1] =	stream.indirect_vreg.gather [hbm4b:s5+s2], $0x80, v4, vm0, $0xb8;
	[tilespmem:$0x10080] =	vst v63  }
0xad: {  	_ = 	snop  }
0xae: {  	[tilespmem:s15], [sflag:$0x1] =	stream.indirect_vreg.gather [hbm4b:s6+s2], $0x80, v4, vm0, $0xb8;
	[tilespmem:$0x10080] =	vst v63  }
0xaf: {  	_ = 	snop  }
0xb0: {  	[tilespmem:s16], [sflag:$0x1] =	stream.indirect_vreg.gather [hbm4b:s3+s2], $0x80, v3, vm0, $0xb8;
	[tilespmem:$0x10080] =	vst v63  }
0xb1: {  	_ = 	snop  }
0xb2: {  	[tilespmem:s17], [sflag:$0x1] =	stream.indirect_vreg.gather [hbm4b:s4+s2], $0x80, v3, vm0, $0xb8;
	[tilespmem:$0x10080] =	vst v63  }
0xb3: {  	_ = 	snop  }
0xb4: {  	[tilespmem:s9], [sflag:$0x1] =	stream.indirect_vreg.gather [hbm4b:s5+s2], $0x80, v3, vm0, $0xb8;
	[tilespmem:$0x10080] =	vst v63  }
0xb5: {  	s19 =	simm.s32 $0xB880  }
0xb6: {  	[tilespmem:s19], [sflag:$0x1] =	stream.indirect_vreg.gather [hbm4b:s6+s2], $0x80, v3, vm0, $0xb8;
	[tilespmem:$0x10080] =	vst v63  }
0xb7: {  	v3 =	vld [tilespmem:$0x30];
	_ =	sdelay $0x4  }
0xb8: {  	v63 =	vshll.u32 v3, $0x3  }
0xb9: {  	v3 =	vand.u32 $0x7, v3;
	v4 =	vand.u32 $0xFFFFFFC0, v63  }
0xba: {  	v3 =	vor.u32 v3, v4  }
0xbb: {  	v4 =	vperm.xlane v3, v0;
	_ =	sdelay $0x1  }
0xbc: {  	v4 =	vadd.s32 v1, v4;
	_ =	sdelay $0x3  }
0xbd: {  	s9 =	simm.s32 $0xC080  }
0xbe: {  	[tilespmem:s9], [sflag:$0x1] =	stream.indirect_vreg.gather [hbm4b:s3+s2], $0x80, v4, vm0, $0xb8;
	[tilespmem:$0x10080] =	vst v63  }
0xbf: {  	s19 =	simm.s32 $0xC880;
	v3 =	vperm.xlane v3, v2  }
0xc0: {  	[tilespmem:s19], [sflag:$0x1] =	stream.indirect_vreg.gather [hbm4b:s4+s2], $0x80, v4, vm0, $0xb8;
	[tilespmem:$0x10080] =	vst v63  }
0xc1: {  	v3 =	vadd.s32 v1, v3;
	s9 =	simm.s32 $0xD080  }
0xc2: {  	[tilespmem:s9], [sflag:$0x1] =	stream.indirect_vreg.gather [hbm4b:s5+s2], $0x80, v4, vm0, $0xb8;
	[tilespmem:$0x10080] =	vst v63  }
0xc3: {  	s19 =	simm.s32 $0xD880  }
0xc4: {  	[tilespmem:s19], [sflag:$0x1] =	stream.indirect_vreg.gather [hbm4b:s6+s2], $0x80, v4, vm0, $0xb8;
	[tilespmem:$0x10080] =	vst v63  }
0xc5: {  	s9 =	simm.s32 $0xE080  }
0xc6: {  	[tilespmem:s9], [sflag:$0x1] =	stream.indirect_vreg.gather [hbm4b:s3+s2], $0x80, v3, vm0, $0xb8;
	[tilespmem:$0x10080] =	vst v63  }
0xc7: {  	s19 =	simm.s32 $0xE880  }
0xc8: {  	[tilespmem:s19], [sflag:$0x1] =	stream.indirect_vreg.gather [hbm4b:s4+s2], $0x80, v3, vm0, $0xb8;
	[tilespmem:$0x10080] =	vst v63  }
0xc9: {  	s9 =	simm.s32 $0xF080  }
0xca: {  	[tilespmem:s9], [sflag:$0x1] =	stream.indirect_vreg.gather [hbm4b:s5+s2], $0x80, v3, vm0, $0xb8;
	[tilespmem:$0x10080] =	vst v63  }
0xcb: {  	s19 =	simm.s32 $0xF880  }
0xcc: {  	[tilespmem:s19], [sflag:$0x1] =	stream.indirect_vreg.gather [hbm4b:s6+s2], $0x80, v3, vm0, $0xb8;
	[tilespmem:$0x10080] =	vst v63  }
0xcd: {  	_ =	swait.ge [sflag:s18], $0x10000  }
0xce: {  	p0 =	sne.s32 s7, $0x1;
	[sflag:s18] =	ssyncset.done $0x0  }
.Ltmp0:
0xcf: {  	s9 =	rddreg [dreg:$0x5];
	[sflag:s18] =	ssyncadd.s32 $0xFFFF0000;
	(pc) =	sbr.rel @p0 .LBB2_1-.Ltmp0, $4  }
0xd0: {  	[hbm4b:s9+s2] =	stream.linear.scatter [tilespmem:s0], [sflag:$0x2], $0x10000, $0x38;
	[tilespmem:$0x10080] =	vst v63  }
0xd1: {  	_ =	swait.ge [sflag:s8], $0x10000  }
0xd2: {  	[sflag:s8] =	ssyncset.done $0x0  }
0xd3: {  	s7 =	sadd.s32 $0xFFFFFFFF, s7;
	[sflag:s8] =	ssyncadd.s32 $0xFFFF0000  }
0xd4: {  	_ =	sfence.sel $0x180000  }
0xd5: {  	[bflag:$0x0] =	sbarrier.arrive $0xFFFF  }
0xd6: {  	_ =	strace $0x9000004A  }
0xd7: {  	s0 =	stileid.u32;
	[bflag:$0x2] =	sbarrier.arrive $0xFFFF  }
0xd8: {  	p0 =	sne.s32 s0, $0x0;
	s0 =	rddreg [dreg:$0x1]  }
0xd9: {  	s0 =	sadd.s32 @!p0 $0x100000, s0  }
0xda: {  	[sflag:s0] =	ssyncadd.tile.s32 @!p0 $0x1;
	_ =	shalt  }
.Lfunc_end2:
_tile_overlayer_lowered:
.L_overlay_start_2:
0xdb: {  	(tag) =	ssettag $0x2  }
0xdc: {  	s0 =	rddreg [dreg:$0x0];
	s2 =	stileid.u32  }
0xdd: {  	s1 =	rddreg [dreg:$0x1];
	p0 =	sne.s32 s2, $0x0  }
0xde: {  	s3 =	rddreg [dreg:$0x2];
	[bflag:$0x3] =	sbarrier.arrive $0xFFFF;
	s2 =	simm.s32 @!p0 $0x1C02  }
0xdf: {  	[timem:s3], [sflag:s2] =	dma.local @!p0 [hbm:s0], s1  }
0xe0: {  	s0 =	simm.s32 @!p0 $0x2  }
0xe1: {  	_ =	swait.ge @!p0 [sflag:s0], s1  }
0xe2: {  	s1 =	ssub.s32 @!p0 $0x0, s1;
	[sflag:s0] =	ssyncset.done @!p0 $0x0  }
0xe3: {  	[sflag:s0] =	ssyncadd.s32 @!p0 s1  }
0xe4: {  	[bflag:$0x3] =	sbarrier.arrive $0xFFFF  }
0xe5: {  	_ =	shalt  }

// kernel: _moe.7.cloned.1.call-start
scs
__scs_entry_jumppad:
0x0: {  	(pc) =	sbr.rel $0x88, $3  }
0x1: {  	(tag) =	ssettag $0x0;
	lr =	simm.s32 $0x1  }
0x2: {  	[smem:$0x3F9B] =	sst lr;
	_ =	strace $0xD0000000  }
0x3: {  	_ = 	snop  }
0x4: {  	_ = 	snop  }
0x5: {  	_ = 	snop  }
0x6: {  	_ = 	snop  }
0x7: {  	_ = 	snop  }
__scs_overlays_trampoline_lowered:
0x8: {  	[smem:$0x3FAA] =	sst s0  }
0x9: {  	[smem:$0x3FAB] =	sst s1  }
0xa: {  	[smem:$0x3FAC] =	sst s2  }
0xb: {  	[smem:$0x3FAD] =	sst s3  }
0xc: {  	[smem:$0x3FAE] =	sst s4  }
0xd: {  	[smem:$0x3FAF] =	sst s5  }
0xe: {  	[smem:$0x3FB0] =	sst s6  }
0xf: {  	[smem:$0x3FB1] =	sst s7  }
0x10: {  	[smem:$0x3FB2] =	sst s8  }
0x11: {  	[smem:$0x3FB3] =	sst s9;
	s0 =	simm.s32 @!p0 $0x0  }
0x12: {  	s1 =	sld [smem:$0x3F99];
	s0 =	simm.s32 @p0 $0x1  }
0x13: {  	[smem:$0x3FB4] =	sst s0;
	s0 =	simm.s32 @!p1 $0x0  }
0x14: {  	s2 =	sld [smem:$0x3F98];
	s0 =	simm.s32 @p1 $0x1  }
0x15: {  	[smem:$0x3FB5] =	sst s0;
	s0 =	simm.s32 @!p2 $0x0  }
0x16: {  	s3 =	sld [smem:$0x3FDB];
	s0 =	simm.s32 @p2 $0x1  }
0x17: {  	s4 =	simm.s32 $0x1BF5;
	[smem:$0x3FB7] =	sst s0  }
0x18: {  	s0 =	sld [smem:$0x3F9A];
	_ =	swait.ge [sflag:s4], $0x0  }
0x19: {  	s7 =	sld [smem:$0x3F9B]  }
0x1a: {  	s8 =	sadd.s32 $0xFFFFE003, lr  }
0x1b: {  	s9 =	sadd.s32 $0xFFFFFEF7, lr;
	s5 =	simm.s32 $0xFFFFFFFF;
	p2 =	slt.u32 s8, $0xFFFFF086  }
0x1c: {  	p1 =	slt.u32 s9, $0xF7A;
	s5 =	simm.s32 @!p2 $0x0  }
0x1d: {  	s5 =	simm.s32 @p1 $0x1;
	p0 =	seq.s32 s7, s2  }
0x1e: {  	s7 =	smul.u32 @!p0 $0xF7A, s2;
	p2 =	seq.s32 @!p0 s5, $0x0  }
0x1f: {  	s9 =	smul.u32 $0xF7A, s1;
	s8 =	simm.s32 @!p0 $0x1BF5;
	p2 =	por !p2, p0  }
0x20: {  	[sflag:s8] =	ssyncset.s32 @!p0 $0xFFFFF086;
	s6 =	sadd.s32 @!p0 s3, s7;
	s7 =	simm.s32 @!p0 $0x108  }
0x21: {  	s3 =	sadd.s32 s3, s9;
	s6 =	sadd.s32 @!p0 $0x88, s6;
	s7 =	simm.s32 @p2 $0x1082  }
0x22: {  	[simem:s7], [sflag:s8] =	dma.local @!p0 [hbm:s6], $0xF7A  }
0x23: {  	s9 =	sor.u32 $0xD0000000, s2;
	s6 =	simm.s32 $0x108;
	_ =	swait.ge @!p0 [sflag:s8], $0x0  }
0x24: {  	s3 =	sadd.s32 $0x88, s3;
	s6 =	simm.s32 @!p1 $0x1082;
	[sflag:s4] =	ssyncset.s32 $0xFFFFF086  }
0x25: {  	[simem:s6], [sflag:s4] =	dma.local [hbm:s3], $0xF7A  }
0x26: {  	[smem:$0x3F9B] =	sst s1;
	(tag) =	ssettag s2;
	_ =	strace s9  }
0x27: {  	s1 =	sld [smem:$0x3FAB]  }
0x28: {  	s2 =	sld [smem:$0x3FAC]  }
0x29: {  	s4 =	sld [smem:$0x3FAE]  }
0x2a: {  	p0 =	seq.s32 s5, $0x0;
	s5 =	sld [smem:$0x3FAF]  }
0x2b: {  	s6 =	sld [smem:$0x3FB0]  }
0x2c: {  	s7 =	sld [smem:$0x3FB1]  }
0x2d: {  	s3 =	simm.s32 $0x108;
	s8 =	sld [smem:$0x3FB2]  }
0x2e: {  	s3 =	simm.s32 @!p0 $0x1082;
	s9 =	sld [smem:$0x3FB3]  }
0x2f: {  	lr =	sadd.s32 s0, s3;
	s0 =	sld [smem:$0x3FAA]  }
0x30: {  	s3 =	sld [smem:$0x3FAD]  }
0x31: {  	[smem:$0x3FB6] =	sst s10  }
0x32: {  	s10 =	sld [smem:$0x3FB4];
	_ =	sdelay $0x3  }
0x33: {  	p0 =	seq.s32 s10, $0x1;
	s10 =	sld [smem:$0x3FB6];
	_ =	sdelay $0x3  }
0x34: {  	[smem:$0x3FB6] =	sst s10  }
0x35: {  	s10 =	sld [smem:$0x3FB5];
	_ =	sdelay $0x3  }
0x36: {  	p1 =	seq.s32 s10, $0x1;
	s10 =	sld [smem:$0x3FB6];
	_ =	sdelay $0x3  }
0x37: {  	[smem:$0x3FB6] =	sst s10  }
0x38: {  	s10 =	sld [smem:$0x3FB7]  }
0x39: {  	_ = 	snop;
	(pc) =	sbr.ind lr, $3  }
0x3a: {  	_ = 	snop  }
0x3b: {  	_ = 	snop  }
0x3c: {  	p2 =	seq.s32 s10, $0x1;
	s10 =	sld [smem:$0x3FB6]  }
0x3d: {  	_ =	shalt  }
0x3e: {  	_ =	shalt  }
0x3f: {  	_ =	shalt  }
0x40: {  	_ =	shalt  }
0x41: {  	_ =	shalt  }
0x42: {  	_ =	shalt  }
0x43: {  	_ =	shalt  }
0x44: {  	_ =	shalt  }
0x45: {  	_ =	shalt  }
0x46: {  	_ =	shalt  }
0x47: {  	_ =	shalt  }
0x48: {  	_ =	shalt  }
0x49: {  	_ =	shalt  }
0x4a: {  	_ =	shalt  }
0x4b: {  	_ =	shalt  }
0x4c: {  	_ =	shalt  }
0x4d: {  	_ =	shalt  }
0x4e: {  	_ =	shalt  }
0x4f: {  	_ =	shalt  }
0x50: {  	_ =	shalt  }
0x51: {  	_ =	shalt  }
0x52: {  	_ =	shalt  }
0x53: {  	_ =	shalt  }
0x54: {  	_ =	shalt  }
0x55: {  	_ =	shalt  }
0x56: {  	_ =	shalt  }
0x57: {  	_ =	shalt  }
0x58: {  	_ =	shalt  }
0x59: {  	_ =	shalt  }
0x5a: {  	_ =	shalt  }
0x5b: {  	_ =	shalt  }
0x5c: {  	_ =	shalt  }
0x5d: {  	_ =	shalt  }
0x5e: {  	_ =	shalt  }
0x5f: {  	_ =	shalt  }
0x60: {  	_ =	shalt  }
0x61: {  	_ =	shalt  }
0x62: {  	_ =	shalt  }
0x63: {  	_ =	shalt  }
0x64: {  	_ =	shalt  }
0x65: {  	_ =	shalt  }
0x66: {  	_ =	shalt  }
0x67: {  	_ =	shalt  }
0x68: {  	_ =	shalt  }
0x69: {  	_ =	shalt  }
0x6a: {  	_ =	shalt  }
0x6b: {  	_ =	shalt  }
0x6c: {  	_ =	shalt  }
0x6d: {  	_ =	shalt  }
0x6e: {  	_ =	shalt  }
0x6f: {  	_ =	shalt  }
0x70: {  	_ =	shalt  }
0x71: {  	_ =	shalt  }
0x72: {  	_ =	shalt  }
0x73: {  	_ =	shalt  }
0x74: {  	_ =	shalt  }
0x75: {  	_ =	shalt  }
0x76: {  	_ =	shalt  }
0x77: {  	_ =	shalt  }
0x78: {  	_ =	shalt  }
0x79: {  	_ =	shalt  }
0x7a: {  	_ =	shalt  }
0x7b: {  	_ =	shalt  }
0x7c: {  	_ =	shalt  }
0x7d: {  	_ =	shalt  }
0x7e: {  	_ =	shalt  }
0x7f: {  	_ =	shalt  }
0x80: {  	_ =	shalt  }
0x81: {  	_ =	shalt  }
0x82: {  	_ =	shalt  }
0x83: {  	_ =	shalt  }
0x84: {  	_ =	shalt  }
0x85: {  	_ =	shalt  }
0x86: {  	_ =	shalt  }
0x87: {  	_ =	shalt  }
.Lfunc_end0:
.L_simem_size_0:
called_computation_lowered:
.L_overlay_start_0:
0x88: {  	s2 =	sld [smem:$0x3FD9]  }
0x89: {  	s3 =	sld [smem:$0x3FFE];
	_ =	sdelay $0x1  }
0x8a: {  	s1 =	srdreg.scid  }
0x8b: {  	s0 =	sand.u32 $0x1, s1  }
0x8c: {  	s17 =	sshll.u32 s0, $0xA;
	s2 =	sadd.s32 s3, s2  }
0x8d: {  	s2 =	sadd.s32 s2, s17  }
0x8e: {  	[smem:$0x3FC2] =	sst s2  }
0x8f: {  	_ = 	snop  }
0x90: {  	s2 =	sld [smem:$0x3FC9];
	(tm) =	ssettm $0x1  }
0x91: {  	s18 =	sld [smem:$0x3FFB];
	_ =	sdelay $0x3  }
0x92: {  	_ =	strace s18  }
0x93: {  	s3 =	sld [smem:$0x3FFC];
	_ =	sdelay $0x3  }
0x94: {  	_ =	strace s3  }
0x95: {  	s3 =	sld [smem:$0x3FFD];
	_ =	sdelay $0x3  }
0x96: {  	_ =	strace s3  }
0x97: {  	_ =	strace $0x8FFFFFFF  }
0x98: {  	s19 =	sld [smem:$0x3FDB];
	_ =	sdelay $0x1  }
0x99: {  	s4 =	simm.s32 $_scs_section_size  }
0x9a: {  	s5 =	simm.s32 $_size__tile_overlayer_lowered;
	s6 =	simm.s32 $_tile_overlayer_lowered  }
0x9b: {  	s22 =	simm.s32 $0x1BFF;
	s21 =	sshll.u32 s6, $0x1;
	s3 =	sadd.s32 s4, s19  }
0x9c: {  	s7 =	simm.s32 $0x0;
	s20 =	sshll.u32 s5, $0x1;
	s5 =	sadd.s32 s21, s3  }
0x9d: {  	[timem:s7], [sflag:s22] =	dma.local [hbm:s5], s20  }
0x9e: {  	_ =	swait.ge [sflag:s22], s20  }
0x9f: {  	s4 =	ssub.s32 $0x0, s20;
	[sflag:s22] =	ssyncset.done $0x0  }
0xa0: {  	[sflag:s22] =	ssyncadd.s32 s4;
	_ =	sdelay $0x1  }
0xa1: {  	s23 =	simm.s32 $0x1B8B  }
0xa2: {  	_ =	swait.ge [sflag:s23], $0x1  }
0xa3: {  	[sflag:s23] =	ssyncset.done $0x0  }
0xa4: {  	s25 =	simm.s32 $0x1B8E;
	s24 =	sld [smem:$0x3FFE];
	[sflag:s23] =	ssyncadd.s32 $0xFFFFFFFF  }
0xa5: {  	s26 =	simm.s32 $execute0_lowered;
	[smem:$0x3FD2] =	sst s25  }
0xa6: {  	s5 =	sshll.u32 s26, $0x1;
	_ =	strace $0x80000046;
	[dreg:$0x1] =	wrdreg $0xFFFFFFFF  }
0xa7: {  	s28 =	simm.s32 $_size_execute0_lowered;
	s3 =	sadd.s32 s3, s5;
	[dreg:$0x0] =	wrdreg $0x0  }
0xa8: {  	s5 =	sshll.u32 s28, $0x1;
	[dreg:$0x2] =	wrdreg s3  }
0xa9: {  	[dreg:$0x3] =	wrdreg s5  }
0xaa: {  	[dreg:$0x4] =	wrdreg $0xC0  }
0xab: {  	_ =	task [dreg:s7], $0x5FFFF  }
0xac: {  	[dreg:$0x1] =	wrdreg $0xFFFFFFFF  }
0xad: {  	[dreg:$0x0] =	wrdreg $0x60  }
0xae: {  	[dreg:$0x2] =	wrdreg s24  }
0xaf: {  	[dreg:$0x3] =	wrdreg s2  }
0xb0: {  	[dreg:$0x4] =	wrdreg $0x9  }
0xb1: {  	_ =	task.clear_ibuf [dreg:s7], $0x5FFFF;
	_ =	strace $0x90000046  }
0xb2: {  	s29 =	simm.s32 $0x9;
	_ =	strace $0x80000048  }
0xb3: {  	_ =	swait.ge [sflag:s29], $0x1  }
0xb4: {  	[sflag:s29] =	ssyncadd.s32 $0xFFFFFFFF  }
0xb5: {  	_ =	strace $0x90000048  }
0xb6: {  	_ =	sfence  }
0xb7: {  	s30 =	sld [smem:$0x0];
	_ =	sdelay $0x2  }
0xb8: {  	s31 =	sshll.u32 s1, $0xD;
	s1 =	sshrl.u32 s1, $0x2  }
0xb9: {  	s3 =	sand.u32 $0x4000, s31;
	s1 =	sadd.s32 s1, s30  }
0xba: {  	s0 =	sor.u32 s3, s0;
	s1 =	sshll.u32 s1, $0x11  }
0xbb: {  	s0 =	sor.u32 s1, s0  }
0xbc: {  	s0 =	sadd.s32 $0x8F2B, s0  }
0xbd: {  	[sflag:s0] =	ssyncadd.remote.s32 $0x1  }
0xbe: {  	_ =	sfence.sel $0xFFFF  }
0xbf: {  	[dreg:$0x0] =	wrdreg $0xFFFFFFFF;
	(pc) =	sbr.abs _section_cstart, $3  }
0xc0: {  	[dreg:$0x1] =	wrdreg $0xFFFFFFFF  }
0xc1: {  	_ =	task.clear_ibuf [dreg:s7], $0x2FFFF;
	_ =	strace $0x9FFFFFFF  }
0xc2: {  	(tm) =	ssettm $0x7FFFFFFF  }
0xc3: {  	_ =	shalt  }
tec
execute0_lowered:
.L_overlay_start_1:
0x0: {  	(tag) =	ssettag $0x1  }
0x1: {  	s0 =	srdreg.scid;
	s1 =	rddreg [dreg:$0x0]  }
0x2: {  	s2 =	stileid.u32;
	s4 =	rddreg [dreg:$0x1];
	s9 =	simm.s32 $0x2  }
0x3: {  	s18 =	simm.s32 $0x1;
	s20 =	simm.s32 $0x880;
	s21 =	simm.s32 $0x1080  }
0x4: {  	s22 =	simm.s32 $0x1880;
	s28 =	simm.s32 $0x4080;
	s29 =	simm.s32 $0x4880  }
0x5: {  	s30 =	simm.s32 $0x5080;
	s31 =	simm.s32 $0x5880;
	s10 =	simm.s32 $0x7080  }
0x6: {  	s11 =	simm.s32 $0x7880;
	s12 =	simm.s32 $0x8080;
	s13 =	simm.s32 $0x8880  }
0x7: {  	s14 =	simm.s32 $0x9080;
	s15 =	simm.s32 $0x9880;
	s16 =	simm.s32 $0xA080  }
0x8: {  	s17 =	simm.s32 $0xA880;
	s0 =	sand.u32 $0x1, s0;
	s3 =	sshll.u32 s2, $0x7  }
0x9: {  	s2 =	simm.s32 $0x0;
	s6 =	sadd.s32 $0x9700, s1;
	s5 =	sshll.u32 s0, $0x6  }
0xa: {  	[smem:$0x7FF] =	sst s2;
	s0 =	ssub.s32 $0x2, s0;
	s3 =	sor.u32 s5, s3  }
0xb: {  	_ =	strace $0x80000047;
	s24 =	sshrl.u32 s0, $0x1;
	s5 =	sshrl.u32 s3, $0x3  }
0xc: {  	s23 =	sshll.u32 s3, $0x7;
	s3 =	sadd.s32 $0x9400, s1;
	s0 =	ssub.s32 s0, s24  }
0xd: {  	s24 =	simm.s32 $0x2880;
	s7 =	sadd.s32 s5, s1;
	s4 =	sadd.s32 s4, s23  }
0xe: {  	s5 =	sadd.s32 $0x9600, s1;
	s23 =	simm.s32 $0x2080;
	[dreg:$0x3] =	wrdreg s4  }
0xf: {  	v2 =	vlaneseq.u32;
	s25 =	sadd.s32 $0x9000, s7;
	s4 =	sadd.s32 $0x9500, s1;
	s26 =	sadd.s32 $0x9200, s7  }
0x10: {  	vm0 =	vmmov $0xffff;
	v1 =	vshrl.u32 v2, $0x3;
	s7 =	smax.u32 s0, $0x1;
	s1 =	simm.s32 $0x6080;
	[dreg:$0x4] =	wrdreg s25  }
0x11: {  	v0 =	vand.u32 $0x7, v2;
	v2 =	vor.u32 $0x8, v2;
	v1 =	vmul.u32 $0x8, v1;
	[dreg:$0x5] =	wrdreg s26;
	s25 =	simm.s32 $0x3080;
	s26 =	simm.s32 $0x3880  }
.LBB2_1:
0x12: {  	s19 =	rddreg [dreg:$0x3];
	s0 =	simm.s32 $0x80  }
0x13: {  	[tilespmem:s0], [sflag:$0x2] =	stream.linear.gather [hbm4b:s19+s2], $0x10000, $0x38;
	[tilespmem:$0x10080] =	vst v63  }
0x14: {  	_ =	swait.ge [sflag:s9], $0x10000  }
0x15: {  	[sflag:s9] =	ssyncset.done $0x0  }
0x16: {  	s8 =	rddreg [dreg:$0x4];
	[sflag:s9] =	ssyncadd.s32 $0xFFFF0000  }
0x17: {  	[tilespmem:s2], [sflag:$0x2] =	stream.linear.gather [hbm4b:s8+s2], $0x40, $0x38;
	[tilespmem:$0x10080] =	vst v63  }
0x18: {  	_ =	swait.ge [sflag:s9], $0x40  }
0x19: {  	[sflag:s9] =	ssyncset.done $0x0  }
0x1a: {  	[sflag:s9] =	ssyncadd.s32 $0xFFFFFFC0  }
0x1b: {  	v3 =	vld [tilespmem:$0x0];
	_ =	sdelay $0x4  }
0x1c: {  	v4 =	vshll.u32 v3, $0x3  }
0x1d: {  	v3 =	vand.u32 $0x7, v3;
	v4 =	vand.u32 $0xFFFFFFC0, v4  }
0x1e: {  	v3 =	vor.u32 v3, v4  }
0x1f: {  	v4 =	vperm.xlane v3, v0;
	_ =	sdelay $0x1  }
0x20: {  	v4 =	vadd.s32 v1, v4;
	_ =	sdelay $0x4  }
0x21: {  	[hbm4b:s3+s2] =	stream.indirect_vreg.scatter [tilespmem:s0], [sflag:$0x1], $0x80, v4, vm0, $0xb8;
	[tilespmem:$0x10080] =	vst v63  }
0x22: {  	v3 =	vperm.xlane v3, v2  }
0x23: {  	[hbm4b:s4+s2] =	stream.indirect_vreg.scatter [tilespmem:s20], [sflag:$0x1], $0x80, v4, vm0, $0xb8;
	[tilespmem:$0x10080] =	vst v63  }
0x24: {  	v3 =	vadd.s32 v1, v3  }
0x25: {  	[hbm4b:s5+s2] =	stream.indirect_vreg.scatter [tilespmem:s21], [sflag:$0x1], $0x80, v4, vm0, $0xb8;
	[tilespmem:$0x10080] =	vst v63  }
0x26: {  	_ = 	snop  }
0x27: {  	[hbm4b:s6+s2] =	stream.indirect_vreg.scatter [tilespmem:s22], [sflag:$0x1], $0x80, v4, vm0, $0xb8;
	[tilespmem:$0x10080] =	vst v63  }
0x28: {  	_ = 	snop  }
0x29: {  	[hbm4b:s3+s2] =	stream.indirect_vreg.scatter [tilespmem:s23], [sflag:$0x1], $0x80, v3, vm0, $0xb8;
	[tilespmem:$0x10080] =	vst v63  }
0x2a: {  	_ = 	snop  }
0x2b: {  	[hbm4b:s4+s2] =	stream.indirect_vreg.scatter [tilespmem:s24], [sflag:$0x1], $0x80, v3, vm0, $0xb8;
	[tilespmem:$0x10080] =	vst v63  }
0x2c: {  	_ = 	snop  }
0x2d: {  	[hbm4b:s5+s2] =	stream.indirect_vreg.scatter [tilespmem:s25], [sflag:$0x1], $0x80, v3, vm0, $0xb8;
	[tilespmem:$0x10080] =	vst v63  }
0x2e: {  	_ = 	snop  }
0x2f: {  	[hbm4b:s6+s2] =	stream.indirect_vreg.scatter [tilespmem:s26], [sflag:$0x1], $0x80, v3, vm0, $0xb8;
	[tilespmem:$0x10080] =	vst v63  }
0x30: {  	v3 =	vld [tilespmem:$0x10];
	_ =	sdelay $0x4  }
0x31: {  	v57 =	vshll.u32 v3, $0x3  }
0x32: {  	v3 =	vand.u32 $0x7, v3;
	v4 =	vand.u32 $0xFFFFFFC0, v57  }
0x33: {  	v3 =	vor.u32 v3, v4  }
0x34: {  	v4 =	vperm.xlane v3, v0;
	_ =	sdelay $0x1  }
0x35: {  	v4 =	vadd.s32 v1, v4;
	_ =	sdelay $0x4  }
0x36: {  	[hbm4b:s3+s2] =	stream.indirect_vreg.scatter [tilespmem:s28], [sflag:$0x1], $0x80, v4, vm0, $0xb8;
	[tilespmem:$0x10080] =	vst v63  }
0x37: {  	v3 =	vperm.xlane v3, v2  }
0x38: {  	[hbm4b:s4+s2] =	stream.indirect_vreg.scatter [tilespmem:s29], [sflag:$0x1], $0x80, v4, vm0, $0xb8;
	[tilespmem:$0x10080] =	vst v63  }
0x39: {  	v3 =	vadd.s32 v1, v3  }
0x3a: {  	[hbm4b:s5+s2] =	stream.indirect_vreg.scatter [tilespmem:s30], [sflag:$0x1], $0x80, v4, vm0, $0xb8;
	[tilespmem:$0x10080] =	vst v63  }
0x3b: {  	_ = 	snop  }
0x3c: {  	[hbm4b:s6+s2] =	stream.indirect_vreg.scatter [tilespmem:s31], [sflag:$0x1], $0x80, v4, vm0, $0xb8;
	[tilespmem:$0x10080] =	vst v63  }
0x3d: {  	_ = 	snop  }
0x3e: {  	[hbm4b:s3+s2] =	stream.indirect_vreg.scatter [tilespmem:s1], [sflag:$0x1], $0x80, v3, vm0, $0xb8;
	[tilespmem:$0x10080] =	vst v63  }
0x3f: {  	s8 =	simm.s32 $0x6880  }
0x40: {  	[hbm4b:s4+s2] =	stream.indirect_vreg.scatter [tilespmem:s8], [sflag:$0x1], $0x80, v3, vm0, $0xb8;
	[tilespmem:$0x10080] =	vst v63  }
0x41: {  	_ = 	snop  }
0x42: {  	[hbm4b:s5+s2] =	stream.indirect_vreg.scatter [tilespmem:s10], [sflag:$0x1], $0x80, v3, vm0, $0xb8;
	[tilespmem:$0x10080] =	vst v63  }
0x43: {  	_ = 	snop  }
0x44: {  	[hbm4b:s6+s2] =	stream.indirect_vreg.scatter [tilespmem:s11], [sflag:$0x1], $0x80, v3, vm0, $0xb8;
	[tilespmem:$0x10080] =	vst v63  }
0x45: {  	v3 =	vld [tilespmem:$0x20];
	_ =	sdelay $0x4  }
0x46: {  	v58 =	vshll.u32 v3, $0x3  }
0x47: {  	v3 =	vand.u32 $0x7, v3;
	v4 =	vand.u32 $0xFFFFFFC0, v58  }
0x48: {  	v3 =	vor.u32 v3, v4  }
0x49: {  	v4 =	vperm.xlane v3, v0;
	_ =	sdelay $0x1  }
0x4a: {  	v4 =	vadd.s32 v1, v4;
	_ =	sdelay $0x4  }
0x4b: {  	[hbm4b:s3+s2] =	stream.indirect_vreg.scatter [tilespmem:s12], [sflag:$0x1], $0x80, v4, vm0, $0xb8;
	[tilespmem:$0x10080] =	vst v63  }
0x4c: {  	v3 =	vperm.xlane v3, v2  }
0x4d: {  	[hbm4b:s4+s2] =	stream.indirect_vreg.scatter [tilespmem:s13], [sflag:$0x1], $0x80, v4, vm0, $0xb8;
	[tilespmem:$0x10080] =	vst v63  }
0x4e: {  	v3 =	vadd.s32 v1, v3  }
0x4f: {  	[hbm4b:s5+s2] =	stream.indirect_vreg.scatter [tilespmem:s14], [sflag:$0x1], $0x80, v4, vm0, $0xb8;
	[tilespmem:$0x10080] =	vst v63  }
0x50: {  	_ = 	snop  }
0x51: {  	[hbm4b:s6+s2] =	stream.indirect_vreg.scatter [tilespmem:s15], [sflag:$0x1], $0x80, v4, vm0, $0xb8;
	[tilespmem:$0x10080] =	vst v63  }
0x52: {  	_ = 	snop  }
0x53: {  	[hbm4b:s3+s2] =	stream.indirect_vreg.scatter [tilespmem:s16], [sflag:$0x1], $0x80, v3, vm0, $0xb8;
	[tilespmem:$0x10080] =	vst v63  }
0x54: {  	_ = 	snop  }
0x55: {  	[hbm4b:s4+s2] =	stream.indirect_vreg.scatter [tilespmem:s17], [sflag:$0x1], $0x80, v3, vm0, $0xb8;
	[tilespmem:$0x10080] =	vst v63  }
0x56: {  	s8 =	simm.s32 $0xB080  }
0x57: {  	[hbm4b:s5+s2] =	stream.indirect_vreg.scatter [tilespmem:s8], [sflag:$0x1], $0x80, v3, vm0, $0xb8;
	[tilespmem:$0x10080] =	vst v63  }
0x58: {  	s19 =	simm.s32 $0xB880  }
0x59: {  	[hbm4b:s6+s2] =	stream.indirect_vreg.scatter [tilespmem:s19], [sflag:$0x1], $0x80, v3, vm0, $0xb8;
	[tilespmem:$0x10080] =	vst v63  }
0x5a: {  	v3 =	vld [tilespmem:$0x30];
	_ =	sdelay $0x4  }
0x5b: {  	v59 =	vshll.u32 v3, $0x3  }
0x5c: {  	v3 =	vand.u32 $0x7, v3;
	v4 =	vand.u32 $0xFFFFFFC0, v59  }
0x5d: {  	v3 =	vor.u32 v3, v4  }
0x5e: {  	v4 =	vperm.xlane v3, v0;
	_ =	sdelay $0x1  }
0x5f: {  	v4 =	vadd.s32 v1, v4;
	_ =	sdelay $0x3  }
0x60: {  	s19 =	simm.s32 $0xC080  }
0x61: {  	[hbm4b:s3+s2] =	stream.indirect_vreg.scatter [tilespmem:s19], [sflag:$0x1], $0x80, v4, vm0, $0xb8;
	[tilespmem:$0x10080] =	vst v63  }
0x62: {  	v3 =	vperm.xlane v3, v2;
	s19 =	simm.s32 $0xC880  }
0x63: {  	[hbm4b:s4+s2] =	stream.indirect_vreg.scatter [tilespmem:s19], [sflag:$0x1], $0x80, v4, vm0, $0xb8;
	[tilespmem:$0x10080] =	vst v63  }
0x64: {  	v3 =	vadd.s32 v1, v3;
	s19 =	simm.s32 $0xD080  }
0x65: {  	[hbm4b:s5+s2] =	stream.indirect_vreg.scatter [tilespmem:s19], [sflag:$0x1], $0x80, v4, vm0, $0xb8;
	[tilespmem:$0x10080] =	vst v63  }
0x66: {  	s19 =	simm.s32 $0xD880  }
0x67: {  	[hbm4b:s6+s2] =	stream.indirect_vreg.scatter [tilespmem:s19], [sflag:$0x1], $0x80, v4, vm0, $0xb8;
	[tilespmem:$0x10080] =	vst v63  }
0x68: {  	s19 =	simm.s32 $0xE080  }
0x69: {  	[hbm4b:s3+s2] =	stream.indirect_vreg.scatter [tilespmem:s19], [sflag:$0x1], $0x80, v3, vm0, $0xb8;
	[tilespmem:$0x10080] =	vst v63  }
0x6a: {  	s19 =	simm.s32 $0xE880  }
0x6b: {  	[hbm4b:s4+s2] =	stream.indirect_vreg.scatter [tilespmem:s19], [sflag:$0x1], $0x80, v3, vm0, $0xb8;
	[tilespmem:$0x10080] =	vst v63  }
0x6c: {  	s19 =	simm.s32 $0xF080  }
0x6d: {  	[hbm4b:s5+s2] =	stream.indirect_vreg.scatter [tilespmem:s19], [sflag:$0x1], $0x80, v3, vm0, $0xb8;
	[tilespmem:$0x10080] =	vst v63  }
0x6e: {  	s19 =	simm.s32 $0xF880  }
0x6f: {  	[hbm4b:s6+s2] =	stream.indirect_vreg.scatter [tilespmem:s19], [sflag:$0x1], $0x80, v3, vm0, $0xb8;
	[tilespmem:$0x10080] =	vst v63  }
0x70: {  	_ =	swait.ge [sflag:s18], $0x10000  }
0x71: {  	[sflag:s18] =	ssyncset.done $0x0  }
0x72: {  	s19 =	rddreg [dreg:$0x5];
	[sflag:s18] =	ssyncadd.s32 $0xFFFF0000  }
0x73: {  	[tilespmem:s2], [sflag:$0x2] =	stream.linear.gather [hbm4b:s19+s2], $0x40, $0x38;
	[tilespmem:$0x10080] =	vst v63  }
0x74: {  	_ =	swait.ge [sflag:s9], $0x40  }
0x75: {  	[sflag:s9] =	ssyncset.done $0x0  }
0x76: {  	[sflag:s9] =	ssyncadd.s32 $0xFFFFFFC0  }
0x77: {  	v3 =	vld [tilespmem:$0x0];
	_ =	sdelay $0x4  }
0x78: {  	v60 =	vshll.u32 v3, $0x3  }
0x79: {  	v3 =	vand.u32 $0x7, v3;
	v4 =	vand.u32 $0xFFFFFFC0, v60  }
0x7a: {  	v3 =	vor.u32 v3, v4  }
0x7b: {  	v4 =	vperm.xlane v3, v0;
	_ =	sdelay $0x1  }
0x7c: {  	v4 =	vadd.s32 v1, v4;
	_ =	sdelay $0x4  }
0x7d: {  	[hbm4b:s3+s2] =	stream.indirect_vreg.scatter [tilespmem:s0], [sflag:$0x1], $0x80, v4, vm0, $0xb8;
	[tilespmem:$0x10080] =	vst v63  }
0x7e: {  	v3 =	vperm.xlane v3, v2  }
0x7f: {  	[hbm4b:s4+s2] =	stream.indirect_vreg.scatter [tilespmem:s20], [sflag:$0x1], $0x80, v4, vm0, $0xb8;
	[tilespmem:$0x10080] =	vst v63  }
0x80: {  	v3 =	vadd.s32 v1, v3  }
0x81: {  	[hbm4b:s5+s2] =	stream.indirect_vreg.scatter [tilespmem:s21], [sflag:$0x1], $0x80, v4, vm0, $0xb8;
	[tilespmem:$0x10080] =	vst v63  }
0x82: {  	_ = 	snop  }
0x83: {  	[hbm4b:s6+s2] =	stream.indirect_vreg.scatter [tilespmem:s22], [sflag:$0x1], $0x80, v4, vm0, $0xb8;
	[tilespmem:$0x10080] =	vst v63  }
0x84: {  	_ = 	snop  }
0x85: {  	[hbm4b:s3+s2] =	stream.indirect_vreg.scatter [tilespmem:s23], [sflag:$0x1], $0x80, v3, vm0, $0xb8;
	[tilespmem:$0x10080] =	vst v63  }
0x86: {  	_ = 	snop  }
0x87: {  	[hbm4b:s4+s2] =	stream.indirect_vreg.scatter [tilespmem:s24], [sflag:$0x1], $0x80, v3, vm0, $0xb8;
	[tilespmem:$0x10080] =	vst v63  }
0x88: {  	_ = 	snop  }
0x89: {  	[hbm4b:s5+s2] =	stream.indirect_vreg.scatter [tilespmem:s25], [sflag:$0x1], $0x80, v3, vm0, $0xb8;
	[tilespmem:$0x10080] =	vst v63  }
0x8a: {  	_ = 	snop  }
0x8b: {  	[hbm4b:s6+s2] =	stream.indirect_vreg.scatter [tilespmem:s26], [sflag:$0x1], $0x80, v3, vm0, $0xb8;
	[tilespmem:$0x10080] =	vst v63  }
0x8c: {  	v3 =	vld [tilespmem:$0x10];
	_ =	sdelay $0x4  }
0x8d: {  	v61 =	vshll.u32 v3, $0x3  }
0x8e: {  	v3 =	vand.u32 $0x7, v3;
	v4 =	vand.u32 $0xFFFFFFC0, v61  }
0x8f: {  	v3 =	vor.u32 v3, v4  }
0x90: {  	v4 =	vperm.xlane v3, v0;
	_ =	sdelay $0x1  }
0x91: {  	v4 =	vadd.s32 v1, v4;
	_ =	sdelay $0x4  }
0x92: {  	[hbm4b:s3+s2] =	stream.indirect_vreg.scatter [tilespmem:s28], [sflag:$0x1], $0x80, v4, vm0, $0xb8;
	[tilespmem:$0x10080] =	vst v63  }
0x93: {  	v3 =	vperm.xlane v3, v2  }
0x94: {  	[hbm4b:s4+s2] =	stream.indirect_vreg.scatter [tilespmem:s29], [sflag:$0x1], $0x80, v4, vm0, $0xb8;
	[tilespmem:$0x10080] =	vst v63  }
0x95: {  	v3 =	vadd.s32 v1, v3  }
0x96: {  	[hbm4b:s5+s2] =	stream.indirect_vreg.scatter [tilespmem:s30], [sflag:$0x1], $0x80, v4, vm0, $0xb8;
	[tilespmem:$0x10080] =	vst v63  }
0x97: {  	_ = 	snop  }
0x98: {  	[hbm4b:s6+s2] =	stream.indirect_vreg.scatter [tilespmem:s31], [sflag:$0x1], $0x80, v4, vm0, $0xb8;
	[tilespmem:$0x10080] =	vst v63  }
0x99: {  	_ = 	snop  }
0x9a: {  	[hbm4b:s3+s2] =	stream.indirect_vreg.scatter [tilespmem:s1], [sflag:$0x1], $0x80, v3, vm0, $0xb8;
	[tilespmem:$0x10080] =	vst v63  }
0x9b: {  	s19 =	simm.s32 $0x6880  }
0x9c: {  	[hbm4b:s4+s2] =	stream.indirect_vreg.scatter [tilespmem:s19], [sflag:$0x1], $0x80, v3, vm0, $0xb8;
	[tilespmem:$0x10080] =	vst v63  }
0x9d: {  	_ = 	snop  }
0x9e: {  	[hbm4b:s5+s2] =	stream.indirect_vreg.scatter [tilespmem:s10], [sflag:$0x1], $0x80, v3, vm0, $0xb8;
	[tilespmem:$0x10080] =	vst v63  }
0x9f: {  	_ = 	snop  }
0xa0: {  	[hbm4b:s6+s2] =	stream.indirect_vreg.scatter [tilespmem:s11], [sflag:$0x1], $0x80, v3, vm0, $0xb8;
	[tilespmem:$0x10080] =	vst v63  }
0xa1: {  	v3 =	vld [tilespmem:$0x20];
	_ =	sdelay $0x4  }
0xa2: {  	v62 =	vshll.u32 v3, $0x3  }
0xa3: {  	v3 =	vand.u32 $0x7, v3;
	v4 =	vand.u32 $0xFFFFFFC0, v62  }
0xa4: {  	v3 =	vor.u32 v3, v4  }
0xa5: {  	v4 =	vperm.xlane v3, v0;
	_ =	sdelay $0x1  }
0xa6: {  	v4 =	vadd.s32 v1, v4;
	_ =	sdelay $0x4  }
0xa7: {  	[hbm4b:s3+s2] =	stream.indirect_vreg.scatter [tilespmem:s12], [sflag:$0x1], $0x80, v4, vm0, $0xb8;
	[tilespmem:$0x10080] =	vst v63  }
0xa8: {  	v3 =	vperm.xlane v3, v2  }
0xa9: {  	[hbm4b:s4+s2] =	stream.indirect_vreg.scatter [tilespmem:s13], [sflag:$0x1], $0x80, v4, vm0, $0xb8;
	[tilespmem:$0x10080] =	vst v63  }
0xaa: {  	v3 =	vadd.s32 v1, v3  }
0xab: {  	[hbm4b:s5+s2] =	stream.indirect_vreg.scatter [tilespmem:s14], [sflag:$0x1], $0x80, v4, vm0, $0xb8;
	[tilespmem:$0x10080] =	vst v63  }
0xac: {  	_ = 	snop  }
0xad: {  	[hbm4b:s6+s2] =	stream.indirect_vreg.scatter [tilespmem:s15], [sflag:$0x1], $0x80, v4, vm0, $0xb8;
	[tilespmem:$0x10080] =	vst v63  }
0xae: {  	_ = 	snop  }
0xaf: {  	[hbm4b:s3+s2] =	stream.indirect_vreg.scatter [tilespmem:s16], [sflag:$0x1], $0x80, v3, vm0, $0xb8;
	[tilespmem:$0x10080] =	vst v63  }
0xb0: {  	_ = 	snop  }
0xb1: {  	[hbm4b:s4+s2] =	stream.indirect_vreg.scatter [tilespmem:s17], [sflag:$0x1], $0x80, v3, vm0, $0xb8;
	[tilespmem:$0x10080] =	vst v63  }
0xb2: {  	_ = 	snop  }
0xb3: {  	[hbm4b:s5+s2] =	stream.indirect_vreg.scatter [tilespmem:s8], [sflag:$0x1], $0x80, v3, vm0, $0xb8;
	[tilespmem:$0x10080] =	vst v63  }
0xb4: {  	s19 =	simm.s32 $0xB880  }
0xb5: {  	[hbm4b:s6+s2] =	stream.indirect_vreg.scatter [tilespmem:s19], [sflag:$0x1], $0x80, v3, vm0, $0xb8;
	[tilespmem:$0x10080] =	vst v63  }
0xb6: {  	v3 =	vld [tilespmem:$0x30];
	_ =	sdelay $0x4  }
0xb7: {  	v63 =	vshll.u32 v3, $0x3  }
0xb8: {  	v3 =	vand.u32 $0x7, v3;
	v4 =	vand.u32 $0xFFFFFFC0, v63  }
0xb9: {  	v3 =	vor.u32 v3, v4  }
0xba: {  	v4 =	vperm.xlane v3, v0;
	_ =	sdelay $0x1  }
0xbb: {  	v4 =	vadd.s32 v1, v4;
	_ =	sdelay $0x3  }
0xbc: {  	s8 =	simm.s32 $0xC080  }
0xbd: {  	[hbm4b:s3+s2] =	stream.indirect_vreg.scatter [tilespmem:s8], [sflag:$0x1], $0x80, v4, vm0, $0xb8;
	[tilespmem:$0x10080] =	vst v63  }
0xbe: {  	s19 =	simm.s32 $0xC880;
	v3 =	vperm.xlane v3, v2  }
0xbf: {  	[hbm4b:s4+s2] =	stream.indirect_vreg.scatter [tilespmem:s19], [sflag:$0x1], $0x80, v4, vm0, $0xb8;
	[tilespmem:$0x10080] =	vst v63  }
0xc0: {  	v3 =	vadd.s32 v1, v3;
	s8 =	simm.s32 $0xD080  }
0xc1: {  	[hbm4b:s5+s2] =	stream.indirect_vreg.scatter [tilespmem:s8], [sflag:$0x1], $0x80, v4, vm0, $0xb8;
	[tilespmem:$0x10080] =	vst v63  }
0xc2: {  	s19 =	simm.s32 $0xD880  }
0xc3: {  	[hbm4b:s6+s2] =	stream.indirect_vreg.scatter [tilespmem:s19], [sflag:$0x1], $0x80, v4, vm0, $0xb8;
	[tilespmem:$0x10080] =	vst v63  }
0xc4: {  	s8 =	simm.s32 $0xE080  }
0xc5: {  	[hbm4b:s3+s2] =	stream.indirect_vreg.scatter [tilespmem:s8], [sflag:$0x1], $0x80, v3, vm0, $0xb8;
	[tilespmem:$0x10080] =	vst v63  }
0xc6: {  	s19 =	simm.s32 $0xE880  }
0xc7: {  	[hbm4b:s4+s2] =	stream.indirect_vreg.scatter [tilespmem:s19], [sflag:$0x1], $0x80, v3, vm0, $0xb8;
	[tilespmem:$0x10080] =	vst v63  }
0xc8: {  	p0 =	sne.s32 s7, $0x1;
	s8 =	simm.s32 $0xF080  }
0xc9: {  	[hbm4b:s5+s2] =	stream.indirect_vreg.scatter [tilespmem:s8], [sflag:$0x1], $0x80, v3, vm0, $0xb8;
	[tilespmem:$0x10080] =	vst v63  }
.Ltmp0:
0xca: {  	s19 =	simm.s32 $0xF880;
	(pc) =	sbr.rel @p0 .LBB2_1-.Ltmp0, $4  }
0xcb: {  	[hbm4b:s6+s2] =	stream.indirect_vreg.scatter [tilespmem:s19], [sflag:$0x1], $0x80, v3, vm0, $0xb8;
	[tilespmem:$0x10080] =	vst v63  }
0xcc: {  	_ =	swait.ge [sflag:s18], $0x10000  }
0xcd: {  	[sflag:s18] =	ssyncset.done $0x0  }
0xce: {  	s7 =	sadd.s32 $0xFFFFFFFF, s7;
	[sflag:s18] =	ssyncadd.s32 $0xFFFF0000  }
0xcf: {  	_ =	sfence.sel $0x180000  }
0xd0: {  	[bflag:$0x0] =	sbarrier.arrive $0xFFFF  }
0xd1: {  	_ =	strace $0x90000047  }
0xd2: {  	s0 =	stileid.u32;
	[bflag:$0x2] =	sbarrier.arrive $0xFFFF  }
0xd3: {  	p0 =	sne.s32 s0, $0x0;
	s0 =	rddreg [dreg:$0x2]  }
0xd4: {  	s0 =	sadd.s32 @!p0 $0x100000, s0  }
0xd5: {  	[sflag:s0] =	ssyncadd.tile.s32 @!p0 $0x1;
	_ =	shalt  }
.Lfunc_end2:
_tile_overlayer_lowered:
.L_overlay_start_2:
0xd6: {  	(tag) =	ssettag $0x2  }
0xd7: {  	s0 =	rddreg [dreg:$0x0];
	s2 =	stileid.u32  }
0xd8: {  	s1 =	rddreg [dreg:$0x1];
	p0 =	sne.s32 s2, $0x0  }
0xd9: {  	s3 =	rddreg [dreg:$0x2];
	[bflag:$0x3] =	sbarrier.arrive $0xFFFF;
	s2 =	simm.s32 @!p0 $0x1C02  }
0xda: {  	[timem:s3], [sflag:s2] =	dma.local @!p0 [hbm:s0], s1  }
0xdb: {  	s0 =	simm.s32 @!p0 $0x2  }
0xdc: {  	_ =	swait.ge @!p0 [sflag:s0], s1  }
0xdd: {  	s1 =	ssub.s32 @!p0 $0x0, s1;
	[sflag:s0] =	ssyncset.done @!p0 $0x0  }
0xde: {  	[sflag:s0] =	ssyncadd.s32 @!p0 s1  }
0xdf: {  	[bflag:$0x3] =	sbarrier.arrive $0xFFFF  }
0xe0: {  	_ =	shalt  }

</sc_bundles>
